<compile_context>
chip_gen: v7x
topology: tpu7x:2x2x1
jax: 0.10.2.dev20260603
libtpu: 0.0.44.dev20260713+nightly
codegen_flags: <defaults>
</compile_context>

<pallas_src>
import functools

import jax
import jax.numpy as jnp
from jax import lax
from jax.experimental import pallas as pl
from jax.experimental.pallas import tpu as pltpu
from jax.experimental.pallas import tpu_sc as plsc

VOCAB = 1026
D = 128
BATCH = 4096
HIST = 50
B = BATCH * HIST

NC, NS = 2, 16
NW = NC * NS
ROWS_PER_W = BATCH // NW
RPC = 8
CHUNK = RPC * HIST
N_CHUNKS = ROWS_PER_W // RPC

_mesh = plsc.VectorSubcoreMesh(core_axis_name="c", subcore_axis_name="s")


@functools.partial(
    pl.kernel,
    mesh=_mesh,
    out_type=jax.ShapeDtypeStruct((BATCH, HIST, D), jnp.float32),
    scratch_types=[
        pltpu.VMEM((CHUNK,), jnp.int32),
        pltpu.VMEM((CHUNK,), jnp.int32),
        pltpu.VMEM((CHUNK, D), jnp.float32),
        pltpu.VMEM((CHUNK, D), jnp.float32),
        pltpu.VMEM_SHARED((VOCAB, D), jnp.float32),
        pltpu.SemaphoreType.DMA,
        pltpu.SemaphoreType.DMA,
        pltpu.SemaphoreType.DMA,
        pltpu.SemaphoreType.DMA,
        pltpu.SemaphoreType.DMA,
        pltpu.SemaphoreType.DMA,
    ],
)
def _emb_gather(table_hbm, idx_hbm, out_hbm,
                idx0, idx1, rows0, rows1, tab_sh,
                si0, si1, sg0, sg1, ss0, ss1):
    sid = lax.axis_index("s")
    wid = lax.axis_index("s") * NC + lax.axis_index("c")
    base = wid * ROWS_PER_W
    idx_v = (idx0, idx1)
    rows_v = (rows0, rows1)
    sem_i = (si0, si1)
    sem_g = (sg0, sg1)
    sem_s = (ss0, ss1)

    def idx_load(c, b):
        cc = jnp.minimum(c, N_CHUNKS - 1)
        pltpu.async_copy(idx_hbm.at[pl.ds((base + cc * RPC) * HIST, CHUNK)],
                         idx_v[b], sem_i[b])

    def gather_start(b):
        pltpu.async_copy(tab_sh.at[idx_v[b]], rows_v[b], sem_g[b])

    def scatter_start(c, b):
        bo = base + c * RPC
        for j in range(RPC):
            pltpu.async_copy(rows_v[b].at[pl.ds(j * HIST, HIST)],
                             out_hbm.at[bo + j], sem_s[b])

    def idx_wait(b):
        pltpu.make_async_copy(idx_hbm.at[pl.ds(0, CHUNK)], idx_v[b],
                              sem_i[b]).wait()

    def gather_wait(b):
        pltpu.make_async_copy(tab_sh.at[idx_v[b]], rows_v[b],
                              sem_g[b]).wait()

    def scatter_wait(b):
        for j in range(RPC):
            pltpu.make_async_copy(rows_v[b].at[pl.ds(0, HIST)],
                                  out_hbm.at[0], sem_s[b]).wait()

    @pl.when(sid == 0)
    def _():
        pltpu.sync_copy(table_hbm, tab_sh)

    plsc.subcore_barrier()

    idx_load(0, 0)
    idx_load(1, 1)
    idx_wait(0)
    gather_start(0)
    idx_wait(1)
    gather_start(1)
    gather_wait(0)
    scatter_start(0, 0)
    idx_load(2, 0)

    def group(g, carry):
        for b in range(2):
            c = 2 * g + 2 + b
            o = 1 - b
            scatter_wait(b)
            idx_wait(b)
            gather_start(b)
            gather_wait(o)
            scatter_start(c - 1, o)
            idx_load(c + 1, o)
        return carry

    lax.fori_loop(0, (N_CHUNKS - 2) // 2, group, 0)

    last = (N_CHUNKS - 1) % 2
    gather_wait(last)
    scatter_start(N_CHUNKS - 1, last)
    scatter_wait(1 - last)
    scatter_wait(last)
    idx_wait(N_CHUNKS % 2)


def kernel(indices, species):
    flat = indices.reshape(B)
    return _emb_gather(species, flat)

# --- scband reference (transcript-rebuilt; emitter-appended) ---
"""Pipeline reference for scband-pok-emb-6751688589610 (READ-ONLY COPY).

The authoritative reference and input builder live on the scoring server;
editing this copy changes nothing except your own understanding.
"""

import jax, jax.numpy as jnp
import numpy as np

VOCAB = 1026
EMBED_DIM = 128
BATCH = 4096
HIST = 50

def setup_inputs(seed: int = 0) -> dict:
    key = jax.random.key(seed)
    k1, k2 = jax.random.split(key)
    indices = jax.random.randint(k1, (BATCH, HIST), 0, VOCAB, dtype=jnp.int32)
    # Embedding table normally loaded from pickle (nn.Embedding.from_pretrained);
    # materialized here as a random matrix of the same shape.
    species = jax.random.normal(k2, (VOCAB, EMBED_DIM), dtype=jnp.float32)
    return {"indices": indices, "species": species}

def reference(indices, species):
    # PokEmb.forward_species: nn.Embedding lookup -> gather rows
    return jnp.take(species, indices, axis=0)

if __name__ == "__main__":
    import jax
    _d = setup_inputs()
    print(jax.jit(kernel)(*tuple(_d.values())))

</pallas_src>

<mosaic_0001>
#map = affine_map<(d0, d1) -> (0, 0)>
#map1 = affine_map<(d0, d1) -> (0)>
#map2 = affine_map<(d0, d1) -> (0, 0, 0)>
module attributes {stable_mosaic.version = 14 : i64} {
  func.func @_emb_gather(%arg0: i32, %arg1: i32, %arg2: memref<1026x128xf32, #tpu.memory_space<hbm>>, %arg3: memref<204800xi32, #tpu.memory_space<hbm>>, %arg4: memref<4096x50x128xf32, #tpu.memory_space<hbm>>, %arg5: memref<400xi32, #tpu.memory_space<vmem>>, %arg6: memref<400xi32, #tpu.memory_space<vmem>>, %arg7: memref<400x128xf32, #tpu.memory_space<vmem>>, %arg8: memref<400x128xf32, #tpu.memory_space<vmem>>, %arg9: memref<1026x128xf32, #tpu.memory_space<vmem_shared>>, %arg10: memref<!tpu.dma_semaphore, #tpu.memory_space<semaphore_mem>>, %arg11: memref<!tpu.dma_semaphore, #tpu.memory_space<semaphore_mem>>, %arg12: memref<!tpu.dma_semaphore, #tpu.memory_space<semaphore_mem>>, %arg13: memref<!tpu.dma_semaphore, #tpu.memory_space<semaphore_mem>>, %arg14: memref<!tpu.dma_semaphore, #tpu.memory_space<semaphore_mem>>, %arg15: memref<!tpu.dma_semaphore, #tpu.memory_space<semaphore_mem>>) attributes {dimension_semantics = [#tpu.dimension_semantics<core_parallel>, #tpu.dimension_semantics<subcore_parallel>], iteration_bounds = array<i64: 2, 16>, scalar_prefetch = 0 : i64, scratch_operands = 11 : i64, tpu.core_type = #tpu.core_type<sc_vector_subcore>, window_params = [{transform_indices = #map}, {transform_indices = #map1}, {transform_indices = #map2}]} {
    %mul3A = arith.constant 2 : i32
    %mul3A_0 = arith.muli %arg1, %mul3A : i32
    %add3A = arith.addi %mul3A_0, %arg0 : i32
    %mul3A_1 = arith.constant 128 : i32
    %mul3A_2 = arith.muli %add3A, %mul3A_1 : i32
    %eq3A = arith.constant 0 : i32
    %eq3A_3 = arith.cmpi eq, %arg1, %eq3A : i32
    %convert_element_type3A = arith.extui %eq3A_3 : i1 to i32
    %cond3A = arith.constant 0 : i32
    %cond3A_4 = arith.cmpi ne, %convert_element_type3A, %cond3A : i32
    scf.if %cond3A_4 {
      "tpu.region"() ({
        %run_scoped3A = tpu.sem_alloc : memref<!tpu.dma_semaphore, #tpu.memory_space<semaphore_mem>>
        tpu.enqueue_dma source(%arg2 : memref<1026x128xf32, #tpu.memory_space<hbm>>) target(%arg9 : memref<1026x128xf32, #tpu.memory_space<vmem_shared>>) target_semaphore(%run_scoped3A : memref<!tpu.dma_semaphore, #tpu.memory_space<semaphore_mem>>)
        tpu.wait_dma2 semaphore(%run_scoped3A : memref<!tpu.dma_semaphore, #tpu.memory_space<semaphore_mem>>) src(%arg2 : memref<1026x128xf32, #tpu.memory_space<hbm>>) dst(%arg9 : memref<1026x128xf32, #tpu.memory_space<vmem_shared>>)
        tpu.yield
      }) : () -> ()
    } else {
    }
    %barrier3A = arith.constant 0 : index
    tpu.barrier barrier_id(%barrier3A)
    %min3A = arith.constant 0 : i32
    %min3A_5 = arith.constant 15 : i32
    %min3A_6 = arith.minsi %min3A, %min3A_5 : i32
    %mul3A_7 = arith.constant 8 : i32
    %mul3A_8 = arith.muli %min3A_6, %mul3A_7 : i32
    %add3A_9 = arith.addi %mul3A_2, %mul3A_8 : i32
    %mul3A_10 = arith.constant 50 : i32
    %mul3A_11 = arith.muli %add3A_9, %mul3A_10 : i32
    %dma_start3A = tpu.memref_slice %arg3[%mul3A_11] : memref<204800xi32, #tpu.memory_space<hbm>> -> memref<400xi32, #tpu.memory_space<hbm>>
    %dma_start3A_12 = tpu.memref_slice %arg3[%mul3A_11] : memref<204800xi32, #tpu.memory_space<hbm>> -> memref<400xi32, #tpu.memory_space<hbm>>
    tpu.enqueue_dma source(%dma_start3A_12 : memref<400xi32, #tpu.memory_space<hbm>>) target(%arg5 : memref<400xi32, #tpu.memory_space<vmem>>) target_semaphore(%arg10 : memref<!tpu.dma_semaphore, #tpu.memory_space<semaphore_mem>>)
    %min3A_13 = arith.constant 1 : i32
    %min3A_14 = arith.constant 15 : i32
    %min3A_15 = arith.minsi %min3A_13, %min3A_14 : i32
    %mul3A_16 = arith.constant 8 : i32
    %mul3A_17 = arith.muli %min3A_15, %mul3A_16 : i32
    %add3A_18 = arith.addi %mul3A_2, %mul3A_17 : i32
    %mul3A_19 = arith.constant 50 : i32
    %mul3A_20 = arith.muli %add3A_18, %mul3A_19 : i32
    %dma_start3A_21 = tpu.memref_slice %arg3[%mul3A_20] : memref<204800xi32, #tpu.memory_space<hbm>> -> memref<400xi32, #tpu.memory_space<hbm>>
    %dma_start3A_22 = tpu.memref_slice %arg3[%mul3A_20] : memref<204800xi32, #tpu.memory_space<hbm>> -> memref<400xi32, #tpu.memory_space<hbm>>
    tpu.enqueue_dma source(%dma_start3A_22 : memref<400xi32, #tpu.memory_space<hbm>>) target(%arg6 : memref<400xi32, #tpu.memory_space<vmem>>) target_semaphore(%arg11 : memref<!tpu.dma_semaphore, #tpu.memory_space<semaphore_mem>>)
    %dma_wait3A = arith.constant 0 : i32
    %dma_wait3A_23 = tpu.memref_slice %arg3[%dma_wait3A] : memref<204800xi32, #tpu.memory_space<hbm>> -> memref<400xi32, #tpu.memory_space<hbm>>
    %dma_wait3A_24 = arith.constant 0 : i32
    %dma_wait3A_25 = tpu.memref_slice %arg3[%dma_wait3A_24] : memref<204800xi32, #tpu.memory_space<hbm>> -> memref<400xi32, #tpu.memory_space<hbm>>
    tpu.wait_dma2 semaphore(%arg10 : memref<!tpu.dma_semaphore, #tpu.memory_space<semaphore_mem>>) src(%dma_wait3A_25 : memref<400xi32, #tpu.memory_space<hbm>>) dst(%arg5 : memref<400xi32, #tpu.memory_space<vmem>>)
    %dma_start3A_26 = arith.constant 0 : i32
    %dma_start3A_27 = arith.constant 0 : i32
    %dma_start3A_28 = tpu.memref_slice %arg9[%dma_start3A_26, %dma_start3A_27] : memref<1026x128xf32, #tpu.memory_space<vmem_shared>> -> memref<1026x128xf32, #tpu.memory_space<vmem_shared>>
    tpu.enqueue_indirect_dma source(%dma_start3A_28 : memref<1026x128xf32, #tpu.memory_space<vmem_shared>>) target(%arg7 : memref<400x128xf32, #tpu.memory_space<vmem>>) offsets(%arg5 : memref<400xi32, #tpu.memory_space<vmem>>) semaphore(%arg12 : memref<!tpu.dma_semaphore, #tpu.memory_space<semaphore_mem>>)
    %dma_wait3A_29 = arith.constant 0 : i32
    %dma_wait3A_30 = tpu.memref_slice %arg3[%dma_wait3A_29] : memref<204800xi32, #tpu.memory_space<hbm>> -> memref<400xi32, #tpu.memory_space<hbm>>
    %dma_wait3A_31 = arith.constant 0 : i32
    %dma_wait3A_32 = tpu.memref_slice %arg3[%dma_wait3A_31] : memref<204800xi32, #tpu.memory_space<hbm>> -> memref<400xi32, #tpu.memory_space<hbm>>
    tpu.wait_dma2 semaphore(%arg11 : memref<!tpu.dma_semaphore, #tpu.memory_space<semaphore_mem>>) src(%dma_wait3A_32 : memref<400xi32, #tpu.memory_space<hbm>>) dst(%arg6 : memref<400xi32, #tpu.memory_space<vmem>>)
    %dma_start3A_33 = arith.constant 0 : i32
    %dma_start3A_34 = arith.constant 0 : i32
    %dma_start3A_35 = tpu.memref_slice %arg9[%dma_start3A_33, %dma_start3A_34] : memref<1026x128xf32, #tpu.memory_space<vmem_shared>> -> memref<1026x128xf32, #tpu.memory_space<vmem_shared>>
    tpu.enqueue_indirect_dma source(%dma_start3A_35 : memref<1026x128xf32, #tpu.memory_space<vmem_shared>>) target(%arg8 : memref<400x128xf32, #tpu.memory_space<vmem>>) offsets(%arg6 : memref<400xi32, #tpu.memory_space<vmem>>) semaphore(%arg13 : memref<!tpu.dma_semaphore, #tpu.memory_space<semaphore_mem>>)
    %dma_wait3A_36 = arith.constant 0 : i32
    %dma_wait3A_37 = arith.constant 0 : i32
    %dma_wait3A_38 = tpu.memref_slice %arg9[%dma_wait3A_36, %dma_wait3A_37] : memref<1026x128xf32, #tpu.memory_space<vmem_shared>> -> memref<1026x128xf32, #tpu.memory_space<vmem_shared>>
    tpu.wait_indirect_dma semaphore(%arg12 : memref<!tpu.dma_semaphore, #tpu.memory_space<semaphore_mem>>) src(%dma_wait3A_38 : memref<1026x128xf32, #tpu.memory_space<vmem_shared>>) dst(%arg7 : memref<400x128xf32, #tpu.memory_space<vmem>>)
    %add3A_39 = arith.constant 0 : i32
    %add3A_40 = arith.addi %mul3A_2, %add3A_39 : i32
    %add3A_41 = arith.constant 0 : i32
    %add3A_42 = arith.addi %add3A_40, %add3A_41 : i32
    %dma_start3A_43 = arith.constant 0 : i32
    %dma_start3A_44 = arith.constant 0 : i32
    %dma_start3A_45 = tpu.memref_slice %arg7[%dma_start3A_43, %dma_start3A_44] : memref<400x128xf32, #tpu.memory_space<vmem>> -> memref<50x128xf32, #tpu.memory_space<vmem>>
    %dma_start3A_46 = arith.constant 0 : i32
    %dma_start3A_47 = arith.constant 0 : i32
    %dma_start3A_48 = tpu.memref_slice %arg4[%add3A_42, %dma_start3A_46, %dma_start3A_47] : memref<4096x50x128xf32, #tpu.memory_space<hbm>> -> memref<1x50x128xf32, #tpu.memory_space<hbm>>
    %dma_start3A_49 = tpu.memref_squeeze %dma_start3A_48 : memref<1x50x128xf32, #tpu.memory_space<hbm>> -> memref<50x128xf32, #tpu.memory_space<hbm>>
    %dma_start3A_50 = arith.constant 0 : i32
    %dma_start3A_51 = arith.constant 0 : i32
    %dma_start3A_52 = tpu.memref_slice %arg4[%add3A_42, %dma_start3A_50, %dma_start3A_51] : memref<4096x50x128xf32, #tpu.memory_space<hbm>> -> memref<1x50x128xf32, #tpu.memory_space<hbm>>
    %dma_start3A_53 = tpu.memref_squeeze %dma_start3A_52 : memref<1x50x128xf32, #tpu.memory_space<hbm>> -> memref<50x128xf32, #tpu.memory_space<hbm>>
    %dma_start3A_54 = arith.constant 0 : i32
    %dma_start3A_55 = arith.constant 0 : i32
    %dma_start3A_56 = tpu.memref_slice %arg7[%dma_start3A_54, %dma_start3A_55] : memref<400x128xf32, #tpu.memory_space<vmem>> -> memref<50x128xf32, #tpu.memory_space<vmem>>
    tpu.enqueue_dma source(%dma_start3A_56 : memref<50x128xf32, #tpu.memory_space<vmem>>) target(%dma_start3A_53 : memref<50x128xf32, #tpu.memory_space<hbm>>) target_semaphore(%arg14 : memref<!tpu.dma_semaphore, #tpu.memory_space<semaphore_mem>>)
    %add3A_57 = arith.constant 1 : i32
    %add3A_58 = arith.addi %add3A_40, %add3A_57 : i32
    %dma_start3A_59 = arith.constant 50 : i32
    %dma_start3A_60 = arith.constant 0 : i32
    %dma_start3A_61 = tpu.memref_slice %arg7[%dma_start3A_59, %dma_start3A_60] : memref<400x128xf32, #tpu.memory_space<vmem>> -> memref<50x128xf32, #tpu.memory_space<vmem>>
    %dma_start3A_62 = arith.constant 0 : i32
    %dma_start3A_63 = arith.constant 0 : i32
    %dma_start3A_64 = tpu.memref_slice %arg4[%add3A_58, %dma_start3A_62, %dma_start3A_63] : memref<4096x50x128xf32, #tpu.memory_space<hbm>> -> memref<1x50x128xf32, #tpu.memory_space<hbm>>
    %dma_start3A_65 = tpu.memref_squeeze %dma_start3A_64 : memref<1x50x128xf32, #tpu.memory_space<hbm>> -> memref<50x128xf32, #tpu.memory_space<hbm>>
    %dma_start3A_66 = arith.constant 0 : i32
    %dma_start3A_67 = arith.constant 0 : i32
    %dma_start3A_68 = tpu.memref_slice %arg4[%add3A_58, %dma_start3A_66, %dma_start3A_67] : memref<4096x50x128xf32, #tpu.memory_space<hbm>> -> memref<1x50x128xf32, #tpu.memory_space<hbm>>
    %dma_start3A_69 = tpu.memref_squeeze %dma_start3A_68 : memref<1x50x128xf32, #tpu.memory_space<hbm>> -> memref<50x128xf32, #tpu.memory_space<hbm>>
    %dma_start3A_70 = arith.constant 50 : i32
    %dma_start3A_71 = arith.constant 0 : i32
    %dma_start3A_72 = tpu.memref_slice %arg7[%dma_start3A_70, %dma_start3A_71] : memref<400x128xf32, #tpu.memory_space<vmem>> -> memref<50x128xf32, #tpu.memory_space<vmem>>
    tpu.enqueue_dma source(%dma_start3A_72 : memref<50x128xf32, #tpu.memory_space<vmem>>) target(%dma_start3A_69 : memref<50x128xf32, #tpu.memory_space<hbm>>) target_semaphore(%arg14 : memref<!tpu.dma_semaphore, #tpu.memory_space<semaphore_mem>>)
    %add3A_73 = arith.constant 2 : i32
    %add3A_74 = arith.addi %add3A_40, %add3A_73 : i32
    %dma_start3A_75 = arith.constant 100 : i32
    %dma_start3A_76 = arith.constant 0 : i32
    %dma_start3A_77 = tpu.memref_slice %arg7[%dma_start3A_75, %dma_start3A_76] : memref<400x128xf32, #tpu.memory_space<vmem>> -> memref<50x128xf32, #tpu.memory_space<vmem>>
    %dma_start3A_78 = arith.constant 0 : i32
    %dma_start3A_79 = arith.constant 0 : i32
    %dma_start3A_80 = tpu.memref_slice %arg4[%add3A_74, %dma_start3A_78, %dma_start3A_79] : memref<4096x50x128xf32, #tpu.memory_space<hbm>> -> memref<1x50x128xf32, #tpu.memory_space<hbm>>
    %dma_start3A_81 = tpu.memref_squeeze %dma_start3A_80 : memref<1x50x128xf32, #tpu.memory_space<hbm>> -> memref<50x128xf32, #tpu.memory_space<hbm>>
    %dma_start3A_82 = arith.constant 0 : i32
    %dma_start3A_83 = arith.constant 0 : i32
    %dma_start3A_84 = tpu.memref_slice %arg4[%add3A_74, %dma_start3A_82, %dma_start3A_83] : memref<4096x50x128xf32, #tpu.memory_space<hbm>> -> memref<1x50x128xf32, #tpu.memory_space<hbm>>
    %dma_start3A_85 = tpu.memref_squeeze %dma_start3A_84 : memref<1x50x128xf32, #tpu.memory_space<hbm>> -> memref<50x128xf32, #tpu.memory_space<hbm>>
    %dma_start3A_86 = arith.constant 100 : i32
    %dma_start3A_87 = arith.constant 0 : i32
    %dma_start3A_88 = tpu.memref_slice %arg7[%dma_start3A_86, %dma_start3A_87] : memref<400x128xf32, #tpu.memory_space<vmem>> -> memref<50x128xf32, #tpu.memory_space<vmem>>
    tpu.enqueue_dma source(%dma_start3A_88 : memref<50x128xf32, #tpu.memory_space<vmem>>) target(%dma_start3A_85 : memref<50x128xf32, #tpu.memory_space<hbm>>) target_semaphore(%arg14 : memref<!tpu.dma_semaphore, #tpu.memory_space<semaphore_mem>>)
    %add3A_89 = arith.constant 3 : i32
    %add3A_90 = arith.addi %add3A_40, %add3A_89 : i32
    %dma_start3A_91 = arith.constant 150 : i32
    %dma_start3A_92 = arith.constant 0 : i32
    %dma_start3A_93 = tpu.memref_slice %arg7[%dma_start3A_91, %dma_start3A_92] : memref<400x128xf32, #tpu.memory_space<vmem>> -> memref<50x128xf32, #tpu.memory_space<vmem>>
    %dma_start3A_94 = arith.constant 0 : i32
    %dma_start3A_95 = arith.constant 0 : i32
    %dma_start3A_96 = tpu.memref_slice %arg4[%add3A_90, %dma_start3A_94, %dma_start3A_95] : memref<4096x50x128xf32, #tpu.memory_space<hbm>> -> memref<1x50x128xf32, #tpu.memory_space<hbm>>
    %dma_start3A_97 = tpu.memref_squeeze %dma_start3A_96 : memref<1x50x128xf32, #tpu.memory_space<hbm>> -> memref<50x128xf32, #tpu.memory_space<hbm>>
    %dma_start3A_98 = arith.constant 0 : i32
    %dma_start3A_99 = arith.constant 0 : i32
    %dma_start3A_100 = tpu.memref_slice %arg4[%add3A_90, %dma_start3A_98, %dma_start3A_99] : memref<4096x50x128xf32, #tpu.memory_space<hbm>> -> memref<1x50x128xf32, #tpu.memory_space<hbm>>
    %dma_start3A_101 = tpu.memref_squeeze %dma_start3A_100 : memref<1x50x128xf32, #tpu.memory_space<hbm>> -> memref<50x128xf32, #tpu.memory_space<hbm>>
    %dma_start3A_102 = arith.constant 150 : i32
    %dma_start3A_103 = arith.constant 0 : i32
    %dma_start3A_104 = tpu.memref_slice %arg7[%dma_start3A_102, %dma_start3A_103] : memref<400x128xf32, #tpu.memory_space<vmem>> -> memref<50x128xf32, #tpu.memory_space<vmem>>
    tpu.enqueue_dma source(%dma_start3A_104 : memref<50x128xf32, #tpu.memory_space<vmem>>) target(%dma_start3A_101 : memref<50x128xf32, #tpu.memory_space<hbm>>) target_semaphore(%arg14 : memref<!tpu.dma_semaphore, #tpu.memory_space<semaphore_mem>>)
    %add3A_105 = arith.constant 4 : i32
    %add3A_106 = arith.addi %add3A_40, %add3A_105 : i32
    %dma_start3A_107 = arith.constant 200 : i32
    %dma_start3A_108 = arith.constant 0 : i32
    %dma_start3A_109 = tpu.memref_slice %arg7[%dma_start3A_107, %dma_start3A_108] : memref<400x128xf32, #tpu.memory_space<vmem>> -> memref<50x128xf32, #tpu.memory_space<vmem>>
    %dma_start3A_110 = arith.constant 0 : i32
    %dma_start3A_111 = arith.constant 0 : i32
    %dma_start3A_112 = tpu.memref_slice %arg4[%add3A_106, %dma_start3A_110, %dma_start3A_111] : memref<4096x50x128xf32, #tpu.memory_space<hbm>> -> memref<1x50x128xf32, #tpu.memory_space<hbm>>
    %dma_start3A_113 = tpu.memref_squeeze %dma_start3A_112 : memref<1x50x128xf32, #tpu.memory_space<hbm>> -> memref<50x128xf32, #tpu.memory_space<hbm>>
    %dma_start3A_114 = arith.constant 0 : i32
    %dma_start3A_115 = arith.constant 0 : i32
    %dma_start3A_116 = tpu.memref_slice %arg4[%add3A_106, %dma_start3A_114, %dma_start3A_115] : memref<4096x50x128xf32, #tpu.memory_space<hbm>> -> memref<1x50x128xf32, #tpu.memory_space<hbm>>
    %dma_start3A_117 = tpu.memref_squeeze %dma_start3A_116 : memref<1x50x128xf32, #tpu.memory_space<hbm>> -> memref<50x128xf32, #tpu.memory_space<hbm>>
    %dma_start3A_118 = arith.constant 200 : i32
    %dma_start3A_119 = arith.constant 0 : i32
    %dma_start3A_120 = tpu.memref_slice %arg7[%dma_start3A_118, %dma_start3A_119] : memref<400x128xf32, #tpu.memory_space<vmem>> -> memref<50x128xf32, #tpu.memory_space<vmem>>
    tpu.enqueue_dma source(%dma_start3A_120 : memref<50x128xf32, #tpu.memory_space<vmem>>) target(%dma_start3A_117 : memref<50x128xf32, #tpu.memory_space<hbm>>) target_semaphore(%arg14 : memref<!tpu.dma_semaphore, #tpu.memory_space<semaphore_mem>>)
    %add3A_121 = arith.constant 5 : i32
    %add3A_122 = arith.addi %add3A_40, %add3A_121 : i32
    %dma_start3A_123 = arith.constant 250 : i32
    %dma_start3A_124 = arith.constant 0 : i32
    %dma_start3A_125 = tpu.memref_slice %arg7[%dma_start3A_123, %dma_start3A_124] : memref<400x128xf32, #tpu.memory_space<vmem>> -> memref<50x128xf32, #tpu.memory_space<vmem>>
    %dma_start3A_126 = arith.constant 0 : i32
    %dma_start3A_127 = arith.constant 0 : i32
    %dma_start3A_128 = tpu.memref_slice %arg4[%add3A_122, %dma_start3A_126, %dma_start3A_127] : memref<4096x50x128xf32, #tpu.memory_space<hbm>> -> memref<1x50x128xf32, #tpu.memory_space<hbm>>
    %dma_start3A_129 = tpu.memref_squeeze %dma_start3A_128 : memref<1x50x128xf32, #tpu.memory_space<hbm>> -> memref<50x128xf32, #tpu.memory_space<hbm>>
    %dma_start3A_130 = arith.constant 0 : i32
    %dma_start3A_131 = arith.constant 0 : i32
    %dma_start3A_132 = tpu.memref_slice %arg4[%add3A_122, %dma_start3A_130, %dma_start3A_131] : memref<4096x50x128xf32, #tpu.memory_space<hbm>> -> memref<1x50x128xf32, #tpu.memory_space<hbm>>
    %dma_start3A_133 = tpu.memref_squeeze %dma_start3A_132 : memref<1x50x128xf32, #tpu.memory_space<hbm>> -> memref<50x128xf32, #tpu.memory_space<hbm>>
    %dma_start3A_134 = arith.constant 250 : i32
    %dma_start3A_135 = arith.constant 0 : i32
    %dma_start3A_136 = tpu.memref_slice %arg7[%dma_start3A_134, %dma_start3A_135] : memref<400x128xf32, #tpu.memory_space<vmem>> -> memref<50x128xf32, #tpu.memory_space<vmem>>
    tpu.enqueue_dma source(%dma_start3A_136 : memref<50x128xf32, #tpu.memory_space<vmem>>) target(%dma_start3A_133 : memref<50x128xf32, #tpu.memory_space<hbm>>) target_semaphore(%arg14 : memref<!tpu.dma_semaphore, #tpu.memory_space<semaphore_mem>>)
    %add3A_137 = arith.constant 6 : i32
    %add3A_138 = arith.addi %add3A_40, %add3A_137 : i32
    %dma_start3A_139 = arith.constant 300 : i32
    %dma_start3A_140 = arith.constant 0 : i32
    %dma_start3A_141 = tpu.memref_slice %arg7[%dma_start3A_139, %dma_start3A_140] : memref<400x128xf32, #tpu.memory_space<vmem>> -> memref<50x128xf32, #tpu.memory_space<vmem>>
    %dma_start3A_142 = arith.constant 0 : i32
    %dma_start3A_143 = arith.constant 0 : i32
    %dma_start3A_144 = tpu.memref_slice %arg4[%add3A_138, %dma_start3A_142, %dma_start3A_143] : memref<4096x50x128xf32, #tpu.memory_space<hbm>> -> memref<1x50x128xf32, #tpu.memory_space<hbm>>
    %dma_start3A_145 = tpu.memref_squeeze %dma_start3A_144 : memref<1x50x128xf32, #tpu.memory_space<hbm>> -> memref<50x128xf32, #tpu.memory_space<hbm>>
    %dma_start3A_146 = arith.constant 0 : i32
    %dma_start3A_147 = arith.constant 0 : i32
    %dma_start3A_148 = tpu.memref_slice %arg4[%add3A_138, %dma_start3A_146, %dma_start3A_147] : memref<4096x50x128xf32, #tpu.memory_space<hbm>> -> memref<1x50x128xf32, #tpu.memory_space<hbm>>
    %dma_start3A_149 = tpu.memref_squeeze %dma_start3A_148 : memref<1x50x128xf32, #tpu.memory_space<hbm>> -> memref<50x128xf32, #tpu.memory_space<hbm>>
    %dma_start3A_150 = arith.constant 300 : i32
    %dma_start3A_151 = arith.constant 0 : i32
    %dma_start3A_152 = tpu.memref_slice %arg7[%dma_start3A_150, %dma_start3A_151] : memref<400x128xf32, #tpu.memory_space<vmem>> -> memref<50x128xf32, #tpu.memory_space<vmem>>
    tpu.enqueue_dma source(%dma_start3A_152 : memref<50x128xf32, #tpu.memory_space<vmem>>) target(%dma_start3A_149 : memref<50x128xf32, #tpu.memory_space<hbm>>) target_semaphore(%arg14 : memref<!tpu.dma_semaphore, #tpu.memory_space<semaphore_mem>>)
    %add3A_153 = arith.constant 7 : i32
    %add3A_154 = arith.addi %add3A_40, %add3A_153 : i32
    %dma_start3A_155 = arith.constant 350 : i32
    %dma_start3A_156 = arith.constant 0 : i32
    %dma_start3A_157 = tpu.memref_slice %arg7[%dma_start3A_155, %dma_start3A_156] : memref<400x128xf32, #tpu.memory_space<vmem>> -> memref<50x128xf32, #tpu.memory_space<vmem>>
    %dma_start3A_158 = arith.constant 0 : i32
    %dma_start3A_159 = arith.constant 0 : i32
    %dma_start3A_160 = tpu.memref_slice %arg4[%add3A_154, %dma_start3A_158, %dma_start3A_159] : memref<4096x50x128xf32, #tpu.memory_space<hbm>> -> memref<1x50x128xf32, #tpu.memory_space<hbm>>
    %dma_start3A_161 = tpu.memref_squeeze %dma_start3A_160 : memref<1x50x128xf32, #tpu.memory_space<hbm>> -> memref<50x128xf32, #tpu.memory_space<hbm>>
    %dma_start3A_162 = arith.constant 0 : i32
    %dma_start3A_163 = arith.constant 0 : i32
    %dma_start3A_164 = tpu.memref_slice %arg4[%add3A_154, %dma_start3A_162, %dma_start3A_163] : memref<4096x50x128xf32, #tpu.memory_space<hbm>> -> memref<1x50x128xf32, #tpu.memory_space<hbm>>
    %dma_start3A_165 = tpu.memref_squeeze %dma_start3A_164 : memref<1x50x128xf32, #tpu.memory_space<hbm>> -> memref<50x128xf32, #tpu.memory_space<hbm>>
    %dma_start3A_166 = arith.constant 350 : i32
    %dma_start3A_167 = arith.constant 0 : i32
    %dma_start3A_168 = tpu.memref_slice %arg7[%dma_start3A_166, %dma_start3A_167] : memref<400x128xf32, #tpu.memory_space<vmem>> -> memref<50x128xf32, #tpu.memory_space<vmem>>
    tpu.enqueue_dma source(%dma_start3A_168 : memref<50x128xf32, #tpu.memory_space<vmem>>) target(%dma_start3A_165 : memref<50x128xf32, #tpu.memory_space<hbm>>) target_semaphore(%arg14 : memref<!tpu.dma_semaphore, #tpu.memory_space<semaphore_mem>>)
    %min3A_169 = arith.constant 2 : i32
    %min3A_170 = arith.constant 15 : i32
    %min3A_171 = arith.minsi %min3A_169, %min3A_170 : i32
    %mul3A_172 = arith.constant 8 : i32
    %mul3A_173 = arith.muli %min3A_171, %mul3A_172 : i32
    %add3A_174 = arith.addi %mul3A_2, %mul3A_173 : i32
    %mul3A_175 = arith.constant 50 : i32
    %mul3A_176 = arith.muli %add3A_174, %mul3A_175 : i32
    %dma_start3A_177 = tpu.memref_slice %arg3[%mul3A_176] : memref<204800xi32, #tpu.memory_space<hbm>> -> memref<400xi32, #tpu.memory_space<hbm>>
    %dma_start3A_178 = tpu.memref_slice %arg3[%mul3A_176] : memref<204800xi32, #tpu.memory_space<hbm>> -> memref<400xi32, #tpu.memory_space<hbm>>
    tpu.enqueue_dma source(%dma_start3A_178 : memref<400xi32, #tpu.memory_space<hbm>>) target(%arg5 : memref<400xi32, #tpu.memory_space<vmem>>) target_semaphore(%arg10 : memref<!tpu.dma_semaphore, #tpu.memory_space<semaphore_mem>>)
    %scan3A = arith.constant 0 : i32
    %scan3A_179 = arith.constant 0 : i32
    %scan3A_180 = arith.constant 7 : i32
    %scan3A_181 = arith.addi %scan3A_179, %scan3A_180 : i32
    %scan3A_182 = arith.constant 1 : i32
    scf.for %scan3A_561 = %scan3A_179 to %scan3A_181 step %scan3A_182  : i32 {
      %mul3A_562 = arith.constant 2 : i32
      %mul3A_563 = arith.muli %mul3A_562, %scan3A_561 : i32
      %add3A_564 = arith.constant 2 : i32
      %add3A_565 = arith.addi %mul3A_563, %add3A_564 : i32
      %add3A_566 = arith.constant 0 : i32
      %add3A_567 = arith.addi %add3A_565, %add3A_566 : i32
      %dma_wait3A_568 = arith.constant 0 : i32
      %dma_wait3A_569 = arith.constant 0 : i32
      %dma_wait3A_570 = arith.constant 0 : i32
      %dma_wait3A_571 = tpu.memref_slice %arg7[%dma_wait3A_569, %dma_wait3A_570] : memref<400x128xf32, #tpu.memory_space<vmem>> -> memref<50x128xf32, #tpu.memory_space<vmem>>
      %dma_wait3A_572 = arith.constant 0 : i32
      %dma_wait3A_573 = arith.constant 0 : i32
      %dma_wait3A_574 = tpu.memref_slice %arg4[%dma_wait3A_568, %dma_wait3A_572, %dma_wait3A_573] : memref<4096x50x128xf32, #tpu.memory_space<hbm>> -> memref<1x50x128xf32, #tpu.memory_space<hbm>>
      %dma_wait3A_575 = tpu.memref_squeeze %dma_wait3A_574 : memref<1x50x128xf32, #tpu.memory_space<hbm>> -> memref<50x128xf32, #tpu.memory_space<hbm>>
      %dma_wait3A_576 = arith.constant 0 : i32
      %dma_wait3A_577 = arith.constant 0 : i32
      %dma_wait3A_578 = tpu.memref_slice %arg4[%dma_wait3A_568, %dma_wait3A_576, %dma_wait3A_577] : memref<4096x50x128xf32, #tpu.memory_space<hbm>> -> memref<1x50x128xf32, #tpu.memory_space<hbm>>
      %dma_wait3A_579 = tpu.memref_squeeze %dma_wait3A_578 : memref<1x50x128xf32, #tpu.memory_space<hbm>> -> memref<50x128xf32, #tpu.memory_space<hbm>>
      %dma_wait3A_580 = arith.constant 0 : i32
      %dma_wait3A_581 = arith.constant 0 : i32
      %dma_wait3A_582 = tpu.memref_slice %arg7[%dma_wait3A_580, %dma_wait3A_581] : memref<400x128xf32, #tpu.memory_space<vmem>> -> memref<50x128xf32, #tpu.memory_space<vmem>>
      tpu.wait_dma2 semaphore(%arg14 : memref<!tpu.dma_semaphore, #tpu.memory_space<semaphore_mem>>) src(%dma_wait3A_582 : memref<50x128xf32, #tpu.memory_space<vmem>>) dst(%dma_wait3A_579 : memref<50x128xf32, #tpu.memory_space<hbm>>)
      %dma_wait3A_583 = arith.constant 0 : i32
      %dma_wait3A_584 = arith.constant 0 : i32
      %dma_wait3A_585 = arith.constant 0 : i32
      %dma_wait3A_586 = tpu.memref_slice %arg7[%dma_wait3A_584, %dma_wait3A_585] : memref<400x128xf32, #tpu.memory_space<vmem>> -> memref<50x128xf32, #tpu.memory_space<vmem>>
      %dma_wait3A_587 = arith.constant 0 : i32
      %dma_wait3A_588 = arith.constant 0 : i32
      %dma_wait3A_589 = tpu.memref_slice %arg4[%dma_wait3A_583, %dma_wait3A_587, %dma_wait3A_588] : memref<4096x50x128xf32, #tpu.memory_space<hbm>> -> memref<1x50x128xf32, #tpu.memory_space<hbm>>
      %dma_wait3A_590 = tpu.memref_squeeze %dma_wait3A_589 : memref<1x50x128xf32, #tpu.memory_space<hbm>> -> memref<50x128xf32, #tpu.memory_space<hbm>>
      %dma_wait3A_591 = arith.constant 0 : i32
      %dma_wait3A_592 = arith.constant 0 : i32
      %dma_wait3A_593 = tpu.memref_slice %arg4[%dma_wait3A_583, %dma_wait3A_591, %dma_wait3A_592] : memref<4096x50x128xf32, #tpu.memory_space<hbm>> -> memref<1x50x128xf32, #tpu.memory_space<hbm>>
      %dma_wait3A_594 = tpu.memref_squeeze %dma_wait3A_593 : memref<1x50x128xf32, #tpu.memory_space<hbm>> -> memref<50x128xf32, #tpu.memory_space<hbm>>
      %dma_wait3A_595 = arith.constant 0 : i32
      %dma_wait3A_596 = arith.constant 0 : i32
      %dma_wait3A_597 = tpu.memref_slice %arg7[%dma_wait3A_595, %dma_wait3A_596] : memref<400x128xf32, #tpu.memory_space<vmem>> -> memref<50x128xf32, #tpu.memory_space<vmem>>
      tpu.wait_dma2 semaphore(%arg14 : memref<!tpu.dma_semaphore, #tpu.memory_space<semaphore_mem>>) src(%dma_wait3A_597 : memref<50x128xf32, #tpu.memory_space<vmem>>) dst(%dma_wait3A_594 : memref<50x128xf32, #tpu.memory_space<hbm>>)
      %dma_wait3A_598 = arith.constant 0 : i32
      %dma_wait3A_599 = arith.constant 0 : i32
      %dma_wait3A_600 = arith.constant 0 : i32
      %dma_wait3A_601 = tpu.memref_slice %arg7[%dma_wait3A_599, %dma_wait3A_600] : memref<400x128xf32, #tpu.memory_space<vmem>> -> memref<50x128xf32, #tpu.memory_space<vmem>>
      %dma_wait3A_602 = arith.constant 0 : i32
      %dma_wait3A_603 = arith.constant 0 : i32
      %dma_wait3A_604 = tpu.memref_slice %arg4[%dma_wait3A_598, %dma_wait3A_602, %dma_wait3A_603] : memref<4096x50x128xf32, #tpu.memory_space<hbm>> -> memref<1x50x128xf32, #tpu.memory_space<hbm>>
      %dma_wait3A_605 = tpu.memref_squeeze %dma_wait3A_604 : memref<1x50x128xf32, #tpu.memory_space<hbm>> -> memref<50x128xf32, #tpu.memory_space<hbm>>
      %dma_wait3A_606 = arith.constant 0 : i32
      %dma_wait3A_607 = arith.constant 0 : i32
      %dma_wait3A_608 = tpu.memref_slice %arg4[%dma_wait3A_598, %dma_wait3A_606, %dma_wait3A_607] : memref<4096x50x128xf32, #tpu.memory_space<hbm>> -> memref<1x50x128xf32, #tpu.memory_space<hbm>>
      %dma_wait3A_609 = tpu.memref_squeeze %dma_wait3A_608 : memref<1x50x128xf32, #tpu.memory_space<hbm>> -> memref<50x128xf32, #tpu.memory_space<hbm>>
      %dma_wait3A_610 = arith.constant 0 : i32
      %dma_wait3A_611 = arith.constant 0 : i32
      %dma_wait3A_612 = tpu.memref_slice %arg7[%dma_wait3A_610, %dma_wait3A_611] : memref<400x128xf32, #tpu.memory_space<vmem>> -> memref<50x128xf32, #tpu.memory_space<vmem>>
      tpu.wait_dma2 semaphore(%arg14 : memref<!tpu.dma_semaphore, #tpu.memory_space<semaphore_mem>>) src(%dma_wait3A_612 : memref<50x128xf32, #tpu.memory_space<vmem>>) dst(%dma_wait3A_609 : memref<50x128xf32, #tpu.memory_space<hbm>>)
      %dma_wait3A_613 = arith.constant 0 : i32
      %dma_wait3A_614 = arith.constant 0 : i32
      %dma_wait3A_615 = arith.constant 0 : i32
      %dma_wait3A_616 = tpu.memref_slice %arg7[%dma_wait3A_614, %dma_wait3A_615] : memref<400x128xf32, #tpu.memory_space<vmem>> -> memref<50x128xf32, #tpu.memory_space<vmem>>
      %dma_wait3A_617 = arith.constant 0 : i32
      %dma_wait3A_618 = arith.constant 0 : i32
      %dma_wait3A_619 = tpu.memref_slice %arg4[%dma_wait3A_613, %dma_wait3A_617, %dma_wait3A_618] : memref<4096x50x128xf32, #tpu.memory_space<hbm>> -> memref<1x50x128xf32, #tpu.memory_space<hbm>>
      %dma_wait3A_620 = tpu.memref_squeeze %dma_wait3A_619 : memref<1x50x128xf32, #tpu.memory_space<hbm>> -> memref<50x128xf32, #tpu.memory_space<hbm>>
      %dma_wait3A_621 = arith.constant 0 : i32
      %dma_wait3A_622 = arith.constant 0 : i32
      %dma_wait3A_623 = tpu.memref_slice %arg4[%dma_wait3A_613, %dma_wait3A_621, %dma_wait3A_622] : memref<4096x50x128xf32, #tpu.memory_space<hbm>> -> memref<1x50x128xf32, #tpu.memory_space<hbm>>
      %dma_wait3A_624 = tpu.memref_squeeze %dma_wait3A_623 : memref<1x50x128xf32, #tpu.memory_space<hbm>> -> memref<50x128xf32, #tpu.memory_space<hbm>>
      %dma_wait3A_625 = arith.constant 0 : i32
      %dma_wait3A_626 = arith.constant 0 : i32
      %dma_wait3A_627 = tpu.memref_slice %arg7[%dma_wait3A_625, %dma_wait3A_626] : memref<400x128xf32, #tpu.memory_space<vmem>> -> memref<50x128xf32, #tpu.memory_space<vmem>>
      tpu.wait_dma2 semaphore(%arg14 : memref<!tpu.dma_semaphore, #tpu.memory_space<semaphore_mem>>) src(%dma_wait3A_627 : memref<50x128xf32, #tpu.memory_space<vmem>>) dst(%dma_wait3A_624 : memref<50x128xf32, #tpu.memory_space<hbm>>)
      %dma_wait3A_628 = arith.constant 0 : i32
      %dma_wait3A_629 = arith.constant 0 : i32
      %dma_wait3A_630 = arith.constant 0 : i32
      %dma_wait3A_631 = tpu.memref_slice %arg7[%dma_wait3A_629, %dma_wait3A_630] : memref<400x128xf32, #tpu.memory_space<vmem>> -> memref<50x128xf32, #tpu.memory_space<vmem>>
      %dma_wait3A_632 = arith.constant 0 : i32
      %dma_wait3A_633 = arith.constant 0 : i32
      %dma_wait3A_634 = tpu.memref_slice %arg4[%dma_wait3A_628, %dma_wait3A_632, %dma_wait3A_633] : memref<4096x50x128xf32, #tpu.memory_space<hbm>> -> memref<1x50x128xf32, #tpu.memory_space<hbm>>
      %dma_wait3A_635 = tpu.memref_squeeze %dma_wait3A_634 : memref<1x50x128xf32, #tpu.memory_space<hbm>> -> memref<50x128xf32, #tpu.memory_space<hbm>>
      %dma_wait3A_636 = arith.constant 0 : i32
      %dma_wait3A_637 = arith.constant 0 : i32
      %dma_wait3A_638 = tpu.memref_slice %arg4[%dma_wait3A_628, %dma_wait3A_636, %dma_wait3A_637] : memref<4096x50x128xf32, #tpu.memory_space<hbm>> -> memref<1x50x128xf32, #tpu.memory_space<hbm>>
      %dma_wait3A_639 = tpu.memref_squeeze %dma_wait3A_638 : memref<1x50x128xf32, #tpu.memory_space<hbm>> -> memref<50x128xf32, #tpu.memory_space<hbm>>
      %dma_wait3A_640 = arith.constant 0 : i32
      %dma_wait3A_641 = arith.constant 0 : i32
      %dma_wait3A_642 = tpu.memref_slice %arg7[%dma_wait3A_640, %dma_wait3A_641] : memref<400x128xf32, #tpu.memory_space<vmem>> -> memref<50x128xf32, #tpu.memory_space<vmem>>
      tpu.wait_dma2 semaphore(%arg14 : memref<!tpu.dma_semaphore, #tpu.memory_space<semaphore_mem>>) src(%dma_wait3A_642 : memref<50x128xf32, #tpu.memory_space<vmem>>) dst(%dma_wait3A_639 : memref<50x128xf32, #tpu.memory_space<hbm>>)
      %dma_wait3A_643 = arith.constant 0 : i32
      %dma_wait3A_644 = arith.constant 0 : i32
      %dma_wait3A_645 = arith.constant 0 : i32
      %dma_wait3A_646 = tpu.memref_slice %arg7[%dma_wait3A_644, %dma_wait3A_645] : memref<400x128xf32, #tpu.memory_space<vmem>> -> memref<50x128xf32, #tpu.memory_space<vmem>>
      %dma_wait3A_647 = arith.constant 0 : i32
      %dma_wait3A_648 = arith.constant 0 : i32
      %dma_wait3A_649 = tpu.memref_slice %arg4[%dma_wait3A_643, %dma_wait3A_647, %dma_wait3A_648] : memref<4096x50x128xf32, #tpu.memory_space<hbm>> -> memref<1x50x128xf32, #tpu.memory_space<hbm>>
      %dma_wait3A_650 = tpu.memref_squeeze %dma_wait3A_649 : memref<1x50x128xf32, #tpu.memory_space<hbm>> -> memref<50x128xf32, #tpu.memory_space<hbm>>
      %dma_wait3A_651 = arith.constant 0 : i32
      %dma_wait3A_652 = arith.constant 0 : i32
      %dma_wait3A_653 = tpu.memref_slice %arg4[%dma_wait3A_643, %dma_wait3A_651, %dma_wait3A_652] : memref<4096x50x128xf32, #tpu.memory_space<hbm>> -> memref<1x50x128xf32, #tpu.memory_space<hbm>>
      %dma_wait3A_654 = tpu.memref_squeeze %dma_wait3A_653 : memref<1x50x128xf32, #tpu.memory_space<hbm>> -> memref<50x128xf32, #tpu.memory_space<hbm>>
      %dma_wait3A_655 = arith.constant 0 : i32
      %dma_wait3A_656 = arith.constant 0 : i32
      %dma_wait3A_657 = tpu.memref_slice %arg7[%dma_wait3A_655, %dma_wait3A_656] : memref<400x128xf32, #tpu.memory_space<vmem>> -> memref<50x128xf32, #tpu.memory_space<vmem>>
      tpu.wait_dma2 semaphore(%arg14 : memref<!tpu.dma_semaphore, #tpu.memory_space<semaphore_mem>>) src(%dma_wait3A_657 : memref<50x128xf32, #tpu.memory_space<vmem>>) dst(%dma_wait3A_654 : memref<50x128xf32, #tpu.memory_space<hbm>>)
      %dma_wait3A_658 = arith.constant 0 : i32
      %dma_wait3A_659 = arith.constant 0 : i32
      %dma_wait3A_660 = arith.constant 0 : i32
      %dma_wait3A_661 = tpu.memref_slice %arg7[%dma_wait3A_659, %dma_wait3A_660] : memref<400x128xf32, #tpu.memory_space<vmem>> -> memref<50x128xf32, #tpu.memory_space<vmem>>
      %dma_wait3A_662 = arith.constant 0 : i32
      %dma_wait3A_663 = arith.constant 0 : i32
      %dma_wait3A_664 = tpu.memref_slice %arg4[%dma_wait3A_658, %dma_wait3A_662, %dma_wait3A_663] : memref<4096x50x128xf32, #tpu.memory_space<hbm>> -> memref<1x50x128xf32, #tpu.memory_space<hbm>>
      %dma_wait3A_665 = tpu.memref_squeeze %dma_wait3A_664 : memref<1x50x128xf32, #tpu.memory_space<hbm>> -> memref<50x128xf32, #tpu.memory_space<hbm>>
      %dma_wait3A_666 = arith.constant 0 : i32
      %dma_wait3A_667 = arith.constant 0 : i32
      %dma_wait3A_668 = tpu.memref_slice %arg4[%dma_wait3A_658, %dma_wait3A_666, %dma_wait3A_667] : memref<4096x50x128xf32, #tpu.memory_space<hbm>> -> memref<1x50x128xf32, #tpu.memory_space<hbm>>
      %dma_wait3A_669 = tpu.memref_squeeze %dma_wait3A_668 : memref<1x50x128xf32, #tpu.memory_space<hbm>> -> memref<50x128xf32, #tpu.memory_space<hbm>>
      %dma_wait3A_670 = arith.constant 0 : i32
      %dma_wait3A_671 = arith.constant 0 : i32
      %dma_wait3A_672 = tpu.memref_slice %arg7[%dma_wait3A_670, %dma_wait3A_671] : memref<400x128xf32, #tpu.memory_space<vmem>> -> memref<50x128xf32, #tpu.memory_space<vmem>>
      tpu.wait_dma2 semaphore(%arg14 : memref<!tpu.dma_semaphore, #tpu.memory_space<semaphore_mem>>) src(%dma_wait3A_672 : memref<50x128xf32, #tpu.memory_space<vmem>>) dst(%dma_wait3A_669 : memref<50x128xf32, #tpu.memory_space<hbm>>)
      %dma_wait3A_673 = arith.constant 0 : i32
      %dma_wait3A_674 = arith.constant 0 : i32
      %dma_wait3A_675 = arith.constant 0 : i32
      %dma_wait3A_676 = tpu.memref_slice %arg7[%dma_wait3A_674, %dma_wait3A_675] : memref<400x128xf32, #tpu.memory_space<vmem>> -> memref<50x128xf32, #tpu.memory_space<vmem>>
      %dma_wait3A_677 = arith.constant 0 : i32
      %dma_wait3A_678 = arith.constant 0 : i32
      %dma_wait3A_679 = tpu.memref_slice %arg4[%dma_wait3A_673, %dma_wait3A_677, %dma_wait3A_678] : memref<4096x50x128xf32, #tpu.memory_space<hbm>> -> memref<1x50x128xf32, #tpu.memory_space<hbm>>
      %dma_wait3A_680 = tpu.memref_squeeze %dma_wait3A_679 : memref<1x50x128xf32, #tpu.memory_space<hbm>> -> memref<50x128xf32, #tpu.memory_space<hbm>>
      %dma_wait3A_681 = arith.constant 0 : i32
      %dma_wait3A_682 = arith.constant 0 : i32
      %dma_wait3A_683 = tpu.memref_slice %arg4[%dma_wait3A_673, %dma_wait3A_681, %dma_wait3A_682] : memref<4096x50x128xf32, #tpu.memory_space<hbm>> -> memref<1x50x128xf32, #tpu.memory_space<hbm>>
      %dma_wait3A_684 = tpu.memref_squeeze %dma_wait3A_683 : memref<1x50x128xf32, #tpu.memory_space<hbm>> -> memref<50x128xf32, #tpu.memory_space<hbm>>
      %dma_wait3A_685 = arith.constant 0 : i32
      %dma_wait3A_686 = arith.constant 0 : i32
      %dma_wait3A_687 = tpu.memref_slice %arg7[%dma_wait3A_685, %dma_wait3A_686] : memref<400x128xf32, #tpu.memory_space<vmem>> -> memref<50x128xf32, #tpu.memory_space<vmem>>
      tpu.wait_dma2 semaphore(%arg14 : memref<!tpu.dma_semaphore, #tpu.memory_space<semaphore_mem>>) src(%dma_wait3A_687 : memref<50x128xf32, #tpu.memory_space<vmem>>) dst(%dma_wait3A_684 : memref<50x128xf32, #tpu.memory_space<hbm>>)
      %dma_wait3A_688 = arith.constant 0 : i32
      %dma_wait3A_689 = tpu.memref_slice %arg3[%dma_wait3A_688] : memref<204800xi32, #tpu.memory_space<hbm>> -> memref<400xi32, #tpu.memory_space<hbm>>
      %dma_wait3A_690 = arith.constant 0 : i32
      %dma_wait3A_691 = tpu.memref_slice %arg3[%dma_wait3A_690] : memref<204800xi32, #tpu.memory_space<hbm>> -> memref<400xi32, #tpu.memory_space<hbm>>
      tpu.wait_dma2 semaphore(%arg10 : memref<!tpu.dma_semaphore, #tpu.memory_space<semaphore_mem>>) src(%dma_wait3A_691 : memref<400xi32, #tpu.memory_space<hbm>>) dst(%arg5 : memref<400xi32, #tpu.memory_space<vmem>>)
      %dma_start3A_692 = arith.constant 0 : i32
      %dma_start3A_693 = arith.constant 0 : i32
      %dma_start3A_694 = tpu.memref_slice %arg9[%dma_start3A_692, %dma_start3A_693] : memref<1026x128xf32, #tpu.memory_space<vmem_shared>> -> memref<1026x128xf32, #tpu.memory_space<vmem_shared>>
      tpu.enqueue_indirect_dma source(%dma_start3A_694 : memref<1026x128xf32, #tpu.memory_space<vmem_shared>>) target(%arg7 : memref<400x128xf32, #tpu.memory_space<vmem>>) offsets(%arg5 : memref<400xi32, #tpu.memory_space<vmem>>) semaphore(%arg12 : memref<!tpu.dma_semaphore, #tpu.memory_space<semaphore_mem>>)
      %dma_wait3A_695 = arith.constant 0 : i32
      %dma_wait3A_696 = arith.constant 0 : i32
      %dma_wait3A_697 = tpu.memref_slice %arg9[%dma_wait3A_695, %dma_wait3A_696] : memref<1026x128xf32, #tpu.memory_space<vmem_shared>> -> memref<1026x128xf32, #tpu.memory_space<vmem_shared>>
      tpu.wait_indirect_dma semaphore(%arg13 : memref<!tpu.dma_semaphore, #tpu.memory_space<semaphore_mem>>) src(%dma_wait3A_697 : memref<1026x128xf32, #tpu.memory_space<vmem_shared>>) dst(%arg8 : memref<400x128xf32, #tpu.memory_space<vmem>>)
      %sub3A = arith.constant 1 : i32
      %sub3A_698 = arith.subi %add3A_567, %sub3A : i32
      %mul3A_699 = arith.constant 8 : i32
      %mul3A_700 = arith.muli %sub3A_698, %mul3A_699 : i32
      %add3A_701 = arith.addi %mul3A_2, %mul3A_700 : i32
      %add3A_702 = arith.constant 0 : i32
      %add3A_703 = arith.addi %add3A_701, %add3A_702 : i32
      %dma_start3A_704 = arith.constant 0 : i32
      %dma_start3A_705 = arith.constant 0 : i32
      %dma_start3A_706 = tpu.memref_slice %arg8[%dma_start3A_704, %dma_start3A_705] : memref<400x128xf32, #tpu.memory_space<vmem>> -> memref<50x128xf32, #tpu.memory_space<vmem>>
      %dma_start3A_707 = arith.constant 0 : i32
      %dma_start3A_708 = arith.constant 0 : i32
      %dma_start3A_709 = tpu.memref_slice %arg4[%add3A_703, %dma_start3A_707, %dma_start3A_708] : memref<4096x50x128xf32, #tpu.memory_space<hbm>> -> memref<1x50x128xf32, #tpu.memory_space<hbm>>
      %dma_start3A_710 = tpu.memref_squeeze %dma_start3A_709 : memref<1x50x128xf32, #tpu.memory_space<hbm>> -> memref<50x128xf32, #tpu.memory_space<hbm>>
      %dma_start3A_711 = arith.constant 0 : i32
      %dma_start3A_712 = arith.constant 0 : i32
      %dma_start3A_713 = tpu.memref_slice %arg4[%add3A_703, %dma_start3A_711, %dma_start3A_712] : memref<4096x50x128xf32, #tpu.memory_space<hbm>> -> memref<1x50x128xf32, #tpu.memory_space<hbm>>
      %dma_start3A_714 = tpu.memref_squeeze %dma_start3A_713 : memref<1x50x128xf32, #tpu.memory_space<hbm>> -> memref<50x128xf32, #tpu.memory_space<hbm>>
      %dma_start3A_715 = arith.constant 0 : i32
      %dma_start3A_716 = arith.constant 0 : i32
      %dma_start3A_717 = tpu.memref_slice %arg8[%dma_start3A_715, %dma_start3A_716] : memref<400x128xf32, #tpu.memory_space<vmem>> -> memref<50x128xf32, #tpu.memory_space<vmem>>
      tpu.enqueue_dma source(%dma_start3A_717 : memref<50x128xf32, #tpu.memory_space<vmem>>) target(%dma_start3A_714 : memref<50x128xf32, #tpu.memory_space<hbm>>) target_semaphore(%arg15 : memref<!tpu.dma_semaphore, #tpu.memory_space<semaphore_mem>>)
      %add3A_718 = arith.constant 1 : i32
      %add3A_719 = arith.addi %add3A_701, %add3A_718 : i32
      %dma_start3A_720 = arith.constant 50 : i32
      %dma_start3A_721 = arith.constant 0 : i32
      %dma_start3A_722 = tpu.memref_slice %arg8[%dma_start3A_720, %dma_start3A_721] : memref<400x128xf32, #tpu.memory_space<vmem>> -> memref<50x128xf32, #tpu.memory_space<vmem>>
      %dma_start3A_723 = arith.constant 0 : i32
      %dma_start3A_724 = arith.constant 0 : i32
      %dma_start3A_725 = tpu.memref_slice %arg4[%add3A_719, %dma_start3A_723, %dma_start3A_724] : memref<4096x50x128xf32, #tpu.memory_space<hbm>> -> memref<1x50x128xf32, #tpu.memory_space<hbm>>
      %dma_start3A_726 = tpu.memref_squeeze %dma_start3A_725 : memref<1x50x128xf32, #tpu.memory_space<hbm>> -> memref<50x128xf32, #tpu.memory_space<hbm>>
      %dma_start3A_727 = arith.constant 0 : i32
      %dma_start3A_728 = arith.constant 0 : i32
      %dma_start3A_729 = tpu.memref_slice %arg4[%add3A_719, %dma_start3A_727, %dma_start3A_728] : memref<4096x50x128xf32, #tpu.memory_space<hbm>> -> memref<1x50x128xf32, #tpu.memory_space<hbm>>
      %dma_start3A_730 = tpu.memref_squeeze %dma_start3A_729 : memref<1x50x128xf32, #tpu.memory_space<hbm>> -> memref<50x128xf32, #tpu.memory_space<hbm>>
      %dma_start3A_731 = arith.constant 50 : i32
      %dma_start3A_732 = arith.constant 0 : i32
      %dma_start3A_733 = tpu.memref_slice %arg8[%dma_start3A_731, %dma_start3A_732] : memref<400x128xf32, #tpu.memory_space<vmem>> -> memref<50x128xf32, #tpu.memory_space<vmem>>
      tpu.enqueue_dma source(%dma_start3A_733 : memref<50x128xf32, #tpu.memory_space<vmem>>) target(%dma_start3A_730 : memref<50x128xf32, #tpu.memory_space<hbm>>) target_semaphore(%arg15 : memref<!tpu.dma_semaphore, #tpu.memory_space<semaphore_mem>>)
      %add3A_734 = arith.constant 2 : i32
      %add3A_735 = arith.addi %add3A_701, %add3A_734 : i32
      %dma_start3A_736 = arith.constant 100 : i32
      %dma_start3A_737 = arith.constant 0 : i32
      %dma_start3A_738 = tpu.memref_slice %arg8[%dma_start3A_736, %dma_start3A_737] : memref<400x128xf32, #tpu.memory_space<vmem>> -> memref<50x128xf32, #tpu.memory_space<vmem>>
      %dma_start3A_739 = arith.constant 0 : i32
      %dma_start3A_740 = arith.constant 0 : i32
      %dma_start3A_741 = tpu.memref_slice %arg4[%add3A_735, %dma_start3A_739, %dma_start3A_740] : memref<4096x50x128xf32, #tpu.memory_space<hbm>> -> memref<1x50x128xf32, #tpu.memory_space<hbm>>
      %dma_start3A_742 = tpu.memref_squeeze %dma_start3A_741 : memref<1x50x128xf32, #tpu.memory_space<hbm>> -> memref<50x128xf32, #tpu.memory_space<hbm>>
      %dma_start3A_743 = arith.constant 0 : i32
      %dma_start3A_744 = arith.constant 0 : i32
      %dma_start3A_745 = tpu.memref_slice %arg4[%add3A_735, %dma_start3A_743, %dma_start3A_744] : memref<4096x50x128xf32, #tpu.memory_space<hbm>> -> memref<1x50x128xf32, #tpu.memory_space<hbm>>
      %dma_start3A_746 = tpu.memref_squeeze %dma_start3A_745 : memref<1x50x128xf32, #tpu.memory_space<hbm>> -> memref<50x128xf32, #tpu.memory_space<hbm>>
      %dma_start3A_747 = arith.constant 100 : i32
      %dma_start3A_748 = arith.constant 0 : i32
      %dma_start3A_749 = tpu.memref_slice %arg8[%dma_start3A_747, %dma_start3A_748] : memref<400x128xf32, #tpu.memory_space<vmem>> -> memref<50x128xf32, #tpu.memory_space<vmem>>
      tpu.enqueue_dma source(%dma_start3A_749 : memref<50x128xf32, #tpu.memory_space<vmem>>) target(%dma_start3A_746 : memref<50x128xf32, #tpu.memory_space<hbm>>) target_semaphore(%arg15 : memref<!tpu.dma_semaphore, #tpu.memory_space<semaphore_mem>>)
      %add3A_750 = arith.constant 3 : i32
      %add3A_751 = arith.addi %add3A_701, %add3A_750 : i32
      %dma_start3A_752 = arith.constant 150 : i32
      %dma_start3A_753 = arith.constant 0 : i32
      %dma_start3A_754 = tpu.memref_slice %arg8[%dma_start3A_752, %dma_start3A_753] : memref<400x128xf32, #tpu.memory_space<vmem>> -> memref<50x128xf32, #tpu.memory_space<vmem>>
      %dma_start3A_755 = arith.constant 0 : i32
      %dma_start3A_756 = arith.constant 0 : i32
      %dma_start3A_757 = tpu.memref_slice %arg4[%add3A_751, %dma_start3A_755, %dma_start3A_756] : memref<4096x50x128xf32, #tpu.memory_space<hbm>> -> memref<1x50x128xf32, #tpu.memory_space<hbm>>
      %dma_start3A_758 = tpu.memref_squeeze %dma_start3A_757 : memref<1x50x128xf32, #tpu.memory_space<hbm>> -> memref<50x128xf32, #tpu.memory_space<hbm>>
      %dma_start3A_759 = arith.constant 0 : i32
      %dma_start3A_760 = arith.constant 0 : i32
      %dma_start3A_761 = tpu.memref_slice %arg4[%add3A_751, %dma_start3A_759, %dma_start3A_760] : memref<4096x50x128xf32, #tpu.memory_space<hbm>> -> memref<1x50x128xf32, #tpu.memory_space<hbm>>
      %dma_start3A_762 = tpu.memref_squeeze %dma_start3A_761 : memref<1x50x128xf32, #tpu.memory_space<hbm>> -> memref<50x128xf32, #tpu.memory_space<hbm>>
      %dma_start3A_763 = arith.constant 150 : i32
      %dma_start3A_764 = arith.constant 0 : i32
      %dma_start3A_765 = tpu.memref_slice %arg8[%dma_start3A_763, %dma_start3A_764] : memref<400x128xf32, #tpu.memory_space<vmem>> -> memref<50x128xf32, #tpu.memory_space<vmem>>
      tpu.enqueue_dma source(%dma_start3A_765 : memref<50x128xf32, #tpu.memory_space<vmem>>) target(%dma_start3A_762 : memref<50x128xf32, #tpu.memory_space<hbm>>) target_semaphore(%arg15 : memref<!tpu.dma_semaphore, #tpu.memory_space<semaphore_mem>>)
      %add3A_766 = arith.constant 4 : i32
      %add3A_767 = arith.addi %add3A_701, %add3A_766 : i32
      %dma_start3A_768 = arith.constant 200 : i32
      %dma_start3A_769 = arith.constant 0 : i32
      %dma_start3A_770 = tpu.memref_slice %arg8[%dma_start3A_768, %dma_start3A_769] : memref<400x128xf32, #tpu.memory_space<vmem>> -> memref<50x128xf32, #tpu.memory_space<vmem>>
      %dma_start3A_771 = arith.constant 0 : i32
      %dma_start3A_772 = arith.constant 0 : i32
      %dma_start3A_773 = tpu.memref_slice %arg4[%add3A_767, %dma_start3A_771, %dma_start3A_772] : memref<4096x50x128xf32, #tpu.memory_space<hbm>> -> memref<1x50x128xf32, #tpu.memory_space<hbm>>
      %dma_start3A_774 = tpu.memref_squeeze %dma_start3A_773 : memref<1x50x128xf32, #tpu.memory_space<hbm>> -> memref<50x128xf32, #tpu.memory_space<hbm>>
      %dma_start3A_775 = arith.constant 0 : i32
      %dma_start3A_776 = arith.constant 0 : i32
      %dma_start3A_777 = tpu.memref_slice %arg4[%add3A_767, %dma_start3A_775, %dma_start3A_776] : memref<4096x50x128xf32, #tpu.memory_space<hbm>> -> memref<1x50x128xf32, #tpu.memory_space<hbm>>
      %dma_start3A_778 = tpu.memref_squeeze %dma_start3A_777 : memref<1x50x128xf32, #tpu.memory_space<hbm>> -> memref<50x128xf32, #tpu.memory_space<hbm>>
      %dma_start3A_779 = arith.constant 200 : i32
      %dma_start3A_780 = arith.constant 0 : i32
      %dma_start3A_781 = tpu.memref_slice %arg8[%dma_start3A_779, %dma_start3A_780] : memref<400x128xf32, #tpu.memory_space<vmem>> -> memref<50x128xf32, #tpu.memory_space<vmem>>
      tpu.enqueue_dma source(%dma_start3A_781 : memref<50x128xf32, #tpu.memory_space<vmem>>) target(%dma_start3A_778 : memref<50x128xf32, #tpu.memory_space<hbm>>) target_semaphore(%arg15 : memref<!tpu.dma_semaphore, #tpu.memory_space<semaphore_mem>>)
      %add3A_782 = arith.constant 5 : i32
      %add3A_783 = arith.addi %add3A_701, %add3A_782 : i32
      %dma_start3A_784 = arith.constant 250 : i32
      %dma_start3A_785 = arith.constant 0 : i32
      %dma_start3A_786 = tpu.memref_slice %arg8[%dma_start3A_784, %dma_start3A_785] : memref<400x128xf32, #tpu.memory_space<vmem>> -> memref<50x128xf32, #tpu.memory_space<vmem>>
      %dma_start3A_787 = arith.constant 0 : i32
      %dma_start3A_788 = arith.constant 0 : i32
      %dma_start3A_789 = tpu.memref_slice %arg4[%add3A_783, %dma_start3A_787, %dma_start3A_788] : memref<4096x50x128xf32, #tpu.memory_space<hbm>> -> memref<1x50x128xf32, #tpu.memory_space<hbm>>
      %dma_start3A_790 = tpu.memref_squeeze %dma_start3A_789 : memref<1x50x128xf32, #tpu.memory_space<hbm>> -> memref<50x128xf32, #tpu.memory_space<hbm>>
      %dma_start3A_791 = arith.constant 0 : i32
      %dma_start3A_792 = arith.constant 0 : i32
      %dma_start3A_793 = tpu.memref_slice %arg4[%add3A_783, %dma_start3A_791, %dma_start3A_792] : memref<4096x50x128xf32, #tpu.memory_space<hbm>> -> memref<1x50x128xf32, #tpu.memory_space<hbm>>
      %dma_start3A_794 = tpu.memref_squeeze %dma_start3A_793 : memref<1x50x128xf32, #tpu.memory_space<hbm>> -> memref<50x128xf32, #tpu.memory_space<hbm>>
      %dma_start3A_795 = arith.constant 250 : i32
      %dma_start3A_796 = arith.constant 0 : i32
      %dma_start3A_797 = tpu.memref_slice %arg8[%dma_start3A_795, %dma_start3A_796] : memref<400x128xf32, #tpu.memory_space<vmem>> -> memref<50x128xf32, #tpu.memory_space<vmem>>
      tpu.enqueue_dma source(%dma_start3A_797 : memref<50x128xf32, #tpu.memory_space<vmem>>) target(%dma_start3A_794 : memref<50x128xf32, #tpu.memory_space<hbm>>) target_semaphore(%arg15 : memref<!tpu.dma_semaphore, #tpu.memory_space<semaphore_mem>>)
      %add3A_798 = arith.constant 6 : i32
      %add3A_799 = arith.addi %add3A_701, %add3A_798 : i32
      %dma_start3A_800 = arith.constant 300 : i32
      %dma_start3A_801 = arith.constant 0 : i32
      %dma_start3A_802 = tpu.memref_slice %arg8[%dma_start3A_800, %dma_start3A_801] : memref<400x128xf32, #tpu.memory_space<vmem>> -> memref<50x128xf32, #tpu.memory_space<vmem>>
      %dma_start3A_803 = arith.constant 0 : i32
      %dma_start3A_804 = arith.constant 0 : i32
      %dma_start3A_805 = tpu.memref_slice %arg4[%add3A_799, %dma_start3A_803, %dma_start3A_804] : memref<4096x50x128xf32, #tpu.memory_space<hbm>> -> memref<1x50x128xf32, #tpu.memory_space<hbm>>
      %dma_start3A_806 = tpu.memref_squeeze %dma_start3A_805 : memref<1x50x128xf32, #tpu.memory_space<hbm>> -> memref<50x128xf32, #tpu.memory_space<hbm>>
      %dma_start3A_807 = arith.constant 0 : i32
      %dma_start3A_808 = arith.constant 0 : i32
      %dma_start3A_809 = tpu.memref_slice %arg4[%add3A_799, %dma_start3A_807, %dma_start3A_808] : memref<4096x50x128xf32, #tpu.memory_space<hbm>> -> memref<1x50x128xf32, #tpu.memory_space<hbm>>
      %dma_start3A_810 = tpu.memref_squeeze %dma_start3A_809 : memref<1x50x128xf32, #tpu.memory_space<hbm>> -> memref<50x128xf32, #tpu.memory_space<hbm>>
      %dma_start3A_811 = arith.constant 300 : i32
      %dma_start3A_812 = arith.constant 0 : i32
      %dma_start3A_813 = tpu.memref_slice %arg8[%dma_start3A_811, %dma_start3A_812] : memref<400x128xf32, #tpu.memory_space<vmem>> -> memref<50x128xf32, #tpu.memory_space<vmem>>
      tpu.enqueue_dma source(%dma_start3A_813 : memref<50x128xf32, #tpu.memory_space<vmem>>) target(%dma_start3A_810 : memref<50x128xf32, #tpu.memory_space<hbm>>) target_semaphore(%arg15 : memref<!tpu.dma_semaphore, #tpu.memory_space<semaphore_mem>>)
      %add3A_814 = arith.constant 7 : i32
      %add3A_815 = arith.addi %add3A_701, %add3A_814 : i32
      %dma_start3A_816 = arith.constant 350 : i32
      %dma_start3A_817 = arith.constant 0 : i32
      %dma_start3A_818 = tpu.memref_slice %arg8[%dma_start3A_816, %dma_start3A_817] : memref<400x128xf32, #tpu.memory_space<vmem>> -> memref<50x128xf32, #tpu.memory_space<vmem>>
      %dma_start3A_819 = arith.constant 0 : i32
      %dma_start3A_820 = arith.constant 0 : i32
      %dma_start3A_821 = tpu.memref_slice %arg4[%add3A_815, %dma_start3A_819, %dma_start3A_820] : memref<4096x50x128xf32, #tpu.memory_space<hbm>> -> memref<1x50x128xf32, #tpu.memory_space<hbm>>
      %dma_start3A_822 = tpu.memref_squeeze %dma_start3A_821 : memref<1x50x128xf32, #tpu.memory_space<hbm>> -> memref<50x128xf32, #tpu.memory_space<hbm>>
      %dma_start3A_823 = arith.constant 0 : i32
      %dma_start3A_824 = arith.constant 0 : i32
      %dma_start3A_825 = tpu.memref_slice %arg4[%add3A_815, %dma_start3A_823, %dma_start3A_824] : memref<4096x50x128xf32, #tpu.memory_space<hbm>> -> memref<1x50x128xf32, #tpu.memory_space<hbm>>
      %dma_start3A_826 = tpu.memref_squeeze %dma_start3A_825 : memref<1x50x128xf32, #tpu.memory_space<hbm>> -> memref<50x128xf32, #tpu.memory_space<hbm>>
      %dma_start3A_827 = arith.constant 350 : i32
      %dma_start3A_828 = arith.constant 0 : i32
      %dma_start3A_829 = tpu.memref_slice %arg8[%dma_start3A_827, %dma_start3A_828] : memref<400x128xf32, #tpu.memory_space<vmem>> -> memref<50x128xf32, #tpu.memory_space<vmem>>
      tpu.enqueue_dma source(%dma_start3A_829 : memref<50x128xf32, #tpu.memory_space<vmem>>) target(%dma_start3A_826 : memref<50x128xf32, #tpu.memory_space<hbm>>) target_semaphore(%arg15 : memref<!tpu.dma_semaphore, #tpu.memory_space<semaphore_mem>>)
      %add3A_830 = arith.constant 1 : i32
      %add3A_831 = arith.addi %add3A_567, %add3A_830 : i32
      %min3A_832 = arith.constant 15 : i32
      %min3A_833 = arith.minsi %add3A_831, %min3A_832 : i32
      %mul3A_834 = arith.constant 8 : i32
      %mul3A_835 = arith.muli %min3A_833, %mul3A_834 : i32
      %add3A_836 = arith.addi %mul3A_2, %mul3A_835 : i32
      %mul3A_837 = arith.constant 50 : i32
      %mul3A_838 = arith.muli %add3A_836, %mul3A_837 : i32
      %dma_start3A_839 = tpu.memref_slice %arg3[%mul3A_838] : memref<204800xi32, #tpu.memory_space<hbm>> -> memref<400xi32, #tpu.memory_space<hbm>>
      %dma_start3A_840 = tpu.memref_slice %arg3[%mul3A_838] : memref<204800xi32, #tpu.memory_space<hbm>> -> memref<400xi32, #tpu.memory_space<hbm>>
      tpu.enqueue_dma source(%dma_start3A_840 : memref<400xi32, #tpu.memory_space<hbm>>) target(%arg6 : memref<400xi32, #tpu.memory_space<vmem>>) target_semaphore(%arg11 : memref<!tpu.dma_semaphore, #tpu.memory_space<semaphore_mem>>)
      %mul3A_841 = arith.constant 2 : i32
      %mul3A_842 = arith.muli %mul3A_841, %scan3A_561 : i32
      %add3A_843 = arith.constant 2 : i32
      %add3A_844 = arith.addi %mul3A_842, %add3A_843 : i32
      %add3A_845 = arith.constant 1 : i32
      %add3A_846 = arith.addi %add3A_844, %add3A_845 : i32
      %dma_wait3A_847 = arith.constant 0 : i32
      %dma_wait3A_848 = arith.constant 0 : i32
      %dma_wait3A_849 = arith.constant 0 : i32
      %dma_wait3A_850 = tpu.memref_slice %arg8[%dma_wait3A_848, %dma_wait3A_849] : memref<400x128xf32, #tpu.memory_space<vmem>> -> memref<50x128xf32, #tpu.memory_space<vmem>>
      %dma_wait3A_851 = arith.constant 0 : i32
      %dma_wait3A_852 = arith.constant 0 : i32
      %dma_wait3A_853 = tpu.memref_slice %arg4[%dma_wait3A_847, %dma_wait3A_851, %dma_wait3A_852] : memref<4096x50x128xf32, #tpu.memory_space<hbm>> -> memref<1x50x128xf32, #tpu.memory_space<hbm>>
      %dma_wait3A_854 = tpu.memref_squeeze %dma_wait3A_853 : memref<1x50x128xf32, #tpu.memory_space<hbm>> -> memref<50x128xf32, #tpu.memory_space<hbm>>
      %dma_wait3A_855 = arith.constant 0 : i32
      %dma_wait3A_856 = arith.constant 0 : i32
      %dma_wait3A_857 = tpu.memref_slice %arg4[%dma_wait3A_847, %dma_wait3A_855, %dma_wait3A_856] : memref<4096x50x128xf32, #tpu.memory_space<hbm>> -> memref<1x50x128xf32, #tpu.memory_space<hbm>>
      %dma_wait3A_858 = tpu.memref_squeeze %dma_wait3A_857 : memref<1x50x128xf32, #tpu.memory_space<hbm>> -> memref<50x128xf32, #tpu.memory_space<hbm>>
      %dma_wait3A_859 = arith.constant 0 : i32
      %dma_wait3A_860 = arith.constant 0 : i32
      %dma_wait3A_861 = tpu.memref_slice %arg8[%dma_wait3A_859, %dma_wait3A_860] : memref<400x128xf32, #tpu.memory_space<vmem>> -> memref<50x128xf32, #tpu.memory_space<vmem>>
      tpu.wait_dma2 semaphore(%arg15 : memref<!tpu.dma_semaphore, #tpu.memory_space<semaphore_mem>>) src(%dma_wait3A_861 : memref<50x128xf32, #tpu.memory_space<vmem>>) dst(%dma_wait3A_858 : memref<50x128xf32, #tpu.memory_space<hbm>>)
      %dma_wait3A_862 = arith.constant 0 : i32
      %dma_wait3A_863 = arith.constant 0 : i32
      %dma_wait3A_864 = arith.constant 0 : i32
      %dma_wait3A_865 = tpu.memref_slice %arg8[%dma_wait3A_863, %dma_wait3A_864] : memref<400x128xf32, #tpu.memory_space<vmem>> -> memref<50x128xf32, #tpu.memory_space<vmem>>
      %dma_wait3A_866 = arith.constant 0 : i32
      %dma_wait3A_867 = arith.constant 0 : i32
      %dma_wait3A_868 = tpu.memref_slice %arg4[%dma_wait3A_862, %dma_wait3A_866, %dma_wait3A_867] : memref<4096x50x128xf32, #tpu.memory_space<hbm>> -> memref<1x50x128xf32, #tpu.memory_space<hbm>>
      %dma_wait3A_869 = tpu.memref_squeeze %dma_wait3A_868 : memref<1x50x128xf32, #tpu.memory_space<hbm>> -> memref<50x128xf32, #tpu.memory_space<hbm>>
      %dma_wait3A_870 = arith.constant 0 : i32
      %dma_wait3A_871 = arith.constant 0 : i32
      %dma_wait3A_872 = tpu.memref_slice %arg4[%dma_wait3A_862, %dma_wait3A_870, %dma_wait3A_871] : memref<4096x50x128xf32, #tpu.memory_space<hbm>> -> memref<1x50x128xf32, #tpu.memory_space<hbm>>
      %dma_wait3A_873 = tpu.memref_squeeze %dma_wait3A_872 : memref<1x50x128xf32, #tpu.memory_space<hbm>> -> memref<50x128xf32, #tpu.memory_space<hbm>>
      %dma_wait3A_874 = arith.constant 0 : i32
      %dma_wait3A_875 = arith.constant 0 : i32
      %dma_wait3A_876 = tpu.memref_slice %arg8[%dma_wait3A_874, %dma_wait3A_875] : memref<400x128xf32, #tpu.memory_space<vmem>> -> memref<50x128xf32, #tpu.memory_space<vmem>>
      tpu.wait_dma2 semaphore(%arg15 : memref<!tpu.dma_semaphore, #tpu.memory_space<semaphore_mem>>) src(%dma_wait3A_876 : memref<50x128xf32, #tpu.memory_space<vmem>>) dst(%dma_wait3A_873 : memref<50x128xf32, #tpu.memory_space<hbm>>)
      %dma_wait3A_877 = arith.constant 0 : i32
      %dma_wait3A_878 = arith.constant 0 : i32
      %dma_wait3A_879 = arith.constant 0 : i32
      %dma_wait3A_880 = tpu.memref_slice %arg8[%dma_wait3A_878, %dma_wait3A_879] : memref<400x128xf32, #tpu.memory_space<vmem>> -> memref<50x128xf32, #tpu.memory_space<vmem>>
      %dma_wait3A_881 = arith.constant 0 : i32
      %dma_wait3A_882 = arith.constant 0 : i32
      %dma_wait3A_883 = tpu.memref_slice %arg4[%dma_wait3A_877, %dma_wait3A_881, %dma_wait3A_882] : memref<4096x50x128xf32, #tpu.memory_space<hbm>> -> memref<1x50x128xf32, #tpu.memory_space<hbm>>
      %dma_wait3A_884 = tpu.memref_squeeze %dma_wait3A_883 : memref<1x50x128xf32, #tpu.memory_space<hbm>> -> memref<50x128xf32, #tpu.memory_space<hbm>>
      %dma_wait3A_885 = arith.constant 0 : i32
      %dma_wait3A_886 = arith.constant 0 : i32
      %dma_wait3A_887 = tpu.memref_slice %arg4[%dma_wait3A_877, %dma_wait3A_885, %dma_wait3A_886] : memref<4096x50x128xf32, #tpu.memory_space<hbm>> -> memref<1x50x128xf32, #tpu.memory_space<hbm>>
      %dma_wait3A_888 = tpu.memref_squeeze %dma_wait3A_887 : memref<1x50x128xf32, #tpu.memory_space<hbm>> -> memref<50x128xf32, #tpu.memory_space<hbm>>
      %dma_wait3A_889 = arith.constant 0 : i32
      %dma_wait3A_890 = arith.constant 0 : i32
      %dma_wait3A_891 = tpu.memref_slice %arg8[%dma_wait3A_889, %dma_wait3A_890] : memref<400x128xf32, #tpu.memory_space<vmem>> -> memref<50x128xf32, #tpu.memory_space<vmem>>
      tpu.wait_dma2 semaphore(%arg15 : memref<!tpu.dma_semaphore, #tpu.memory_space<semaphore_mem>>) src(%dma_wait3A_891 : memref<50x128xf32, #tpu.memory_space<vmem>>) dst(%dma_wait3A_888 : memref<50x128xf32, #tpu.memory_space<hbm>>)
      %dma_wait3A_892 = arith.constant 0 : i32
      %dma_wait3A_893 = arith.constant 0 : i32
      %dma_wait3A_894 = arith.constant 0 : i32
      %dma_wait3A_895 = tpu.memref_slice %arg8[%dma_wait3A_893, %dma_wait3A_894] : memref<400x128xf32, #tpu.memory_space<vmem>> -> memref<50x128xf32, #tpu.memory_space<vmem>>
      %dma_wait3A_896 = arith.constant 0 : i32
      %dma_wait3A_897 = arith.constant 0 : i32
      %dma_wait3A_898 = tpu.memref_slice %arg4[%dma_wait3A_892, %dma_wait3A_896, %dma_wait3A_897] : memref<4096x50x128xf32, #tpu.memory_space<hbm>> -> memref<1x50x128xf32, #tpu.memory_space<hbm>>
      %dma_wait3A_899 = tpu.memref_squeeze %dma_wait3A_898 : memref<1x50x128xf32, #tpu.memory_space<hbm>> -> memref<50x128xf32, #tpu.memory_space<hbm>>
      %dma_wait3A_900 = arith.constant 0 : i32
      %dma_wait3A_901 = arith.constant 0 : i32
      %dma_wait3A_902 = tpu.memref_slice %arg4[%dma_wait3A_892, %dma_wait3A_900, %dma_wait3A_901] : memref<4096x50x128xf32, #tpu.memory_space<hbm>> -> memref<1x50x128xf32, #tpu.memory_space<hbm>>
      %dma_wait3A_903 = tpu.memref_squeeze %dma_wait3A_902 : memref<1x50x128xf32, #tpu.memory_space<hbm>> -> memref<50x128xf32, #tpu.memory_space<hbm>>
      %dma_wait3A_904 = arith.constant 0 : i32
      %dma_wait3A_905 = arith.constant 0 : i32
      %dma_wait3A_906 = tpu.memref_slice %arg8[%dma_wait3A_904, %dma_wait3A_905] : memref<400x128xf32, #tpu.memory_space<vmem>> -> memref<50x128xf32, #tpu.memory_space<vmem>>
      tpu.wait_dma2 semaphore(%arg15 : memref<!tpu.dma_semaphore, #tpu.memory_space<semaphore_mem>>) src(%dma_wait3A_906 : memref<50x128xf32, #tpu.memory_space<vmem>>) dst(%dma_wait3A_903 : memref<50x128xf32, #tpu.memory_space<hbm>>)
      %dma_wait3A_907 = arith.constant 0 : i32
      %dma_wait3A_908 = arith.constant 0 : i32
      %dma_wait3A_909 = arith.constant 0 : i32
      %dma_wait3A_910 = tpu.memref_slice %arg8[%dma_wait3A_908, %dma_wait3A_909] : memref<400x128xf32, #tpu.memory_space<vmem>> -> memref<50x128xf32, #tpu.memory_space<vmem>>
      %dma_wait3A_911 = arith.constant 0 : i32
      %dma_wait3A_912 = arith.constant 0 : i32
      %dma_wait3A_913 = tpu.memref_slice %arg4[%dma_wait3A_907, %dma_wait3A_911, %dma_wait3A_912] : memref<4096x50x128xf32, #tpu.memory_space<hbm>> -> memref<1x50x128xf32, #tpu.memory_space<hbm>>
      %dma_wait3A_914 = tpu.memref_squeeze %dma_wait3A_913 : memref<1x50x128xf32, #tpu.memory_space<hbm>> -> memref<50x128xf32, #tpu.memory_space<hbm>>
      %dma_wait3A_915 = arith.constant 0 : i32
      %dma_wait3A_916 = arith.constant 0 : i32
      %dma_wait3A_917 = tpu.memref_slice %arg4[%dma_wait3A_907, %dma_wait3A_915, %dma_wait3A_916] : memref<4096x50x128xf32, #tpu.memory_space<hbm>> -> memref<1x50x128xf32, #tpu.memory_space<hbm>>
      %dma_wait3A_918 = tpu.memref_squeeze %dma_wait3A_917 : memref<1x50x128xf32, #tpu.memory_space<hbm>> -> memref<50x128xf32, #tpu.memory_space<hbm>>
      %dma_wait3A_919 = arith.constant 0 : i32
      %dma_wait3A_920 = arith.constant 0 : i32
      %dma_wait3A_921 = tpu.memref_slice %arg8[%dma_wait3A_919, %dma_wait3A_920] : memref<400x128xf32, #tpu.memory_space<vmem>> -> memref<50x128xf32, #tpu.memory_space<vmem>>
      tpu.wait_dma2 semaphore(%arg15 : memref<!tpu.dma_semaphore, #tpu.memory_space<semaphore_mem>>) src(%dma_wait3A_921 : memref<50x128xf32, #tpu.memory_space<vmem>>) dst(%dma_wait3A_918 : memref<50x128xf32, #tpu.memory_space<hbm>>)
      %dma_wait3A_922 = arith.constant 0 : i32
      %dma_wait3A_923 = arith.constant 0 : i32
      %dma_wait3A_924 = arith.constant 0 : i32
      %dma_wait3A_925 = tpu.memref_slice %arg8[%dma_wait3A_923, %dma_wait3A_924] : memref<400x128xf32, #tpu.memory_space<vmem>> -> memref<50x128xf32, #tpu.memory_space<vmem>>
      %dma_wait3A_926 = arith.constant 0 : i32
      %dma_wait3A_927 = arith.constant 0 : i32
      %dma_wait3A_928 = tpu.memref_slice %arg4[%dma_wait3A_922, %dma_wait3A_926, %dma_wait3A_927] : memref<4096x50x128xf32, #tpu.memory_space<hbm>> -> memref<1x50x128xf32, #tpu.memory_space<hbm>>
      %dma_wait3A_929 = tpu.memref_squeeze %dma_wait3A_928 : memref<1x50x128xf32, #tpu.memory_space<hbm>> -> memref<50x128xf32, #tpu.memory_space<hbm>>
      %dma_wait3A_930 = arith.constant 0 : i32
      %dma_wait3A_931 = arith.constant 0 : i32
      %dma_wait3A_932 = tpu.memref_slice %arg4[%dma_wait3A_922, %dma_wait3A_930, %dma_wait3A_931] : memref<4096x50x128xf32, #tpu.memory_space<hbm>> -> memref<1x50x128xf32, #tpu.memory_space<hbm>>
      %dma_wait3A_933 = tpu.memref_squeeze %dma_wait3A_932 : memref<1x50x128xf32, #tpu.memory_space<hbm>> -> memref<50x128xf32, #tpu.memory_space<hbm>>
      %dma_wait3A_934 = arith.constant 0 : i32
      %dma_wait3A_935 = arith.constant 0 : i32
      %dma_wait3A_936 = tpu.memref_slice %arg8[%dma_wait3A_934, %dma_wait3A_935] : memref<400x128xf32, #tpu.memory_space<vmem>> -> memref<50x128xf32, #tpu.memory_space<vmem>>
      tpu.wait_dma2 semaphore(%arg15 : memref<!tpu.dma_semaphore, #tpu.memory_space<semaphore_mem>>) src(%dma_wait3A_936 : memref<50x128xf32, #tpu.memory_space<vmem>>) dst(%dma_wait3A_933 : memref<50x128xf32, #tpu.memory_space<hbm>>)
      %dma_wait3A_937 = arith.constant 0 : i32
      %dma_wait3A_938 = arith.constant 0 : i32
      %dma_wait3A_939 = arith.constant 0 : i32
      %dma_wait3A_940 = tpu.memref_slice %arg8[%dma_wait3A_938, %dma_wait3A_939] : memref<400x128xf32, #tpu.memory_space<vmem>> -> memref<50x128xf32, #tpu.memory_space<vmem>>
      %dma_wait3A_941 = arith.constant 0 : i32
      %dma_wait3A_942 = arith.constant 0 : i32
      %dma_wait3A_943 = tpu.memref_slice %arg4[%dma_wait3A_937, %dma_wait3A_941, %dma_wait3A_942] : memref<4096x50x128xf32, #tpu.memory_space<hbm>> -> memref<1x50x128xf32, #tpu.memory_space<hbm>>
      %dma_wait3A_944 = tpu.memref_squeeze %dma_wait3A_943 : memref<1x50x128xf32, #tpu.memory_space<hbm>> -> memref<50x128xf32, #tpu.memory_space<hbm>>
      %dma_wait3A_945 = arith.constant 0 : i32
      %dma_wait3A_946 = arith.constant 0 : i32
      %dma_wait3A_947 = tpu.memref_slice %arg4[%dma_wait3A_937, %dma_wait3A_945, %dma_wait3A_946] : memref<4096x50x128xf32, #tpu.memory_space<hbm>> -> memref<1x50x128xf32, #tpu.memory_space<hbm>>
      %dma_wait3A_948 = tpu.memref_squeeze %dma_wait3A_947 : memref<1x50x128xf32, #tpu.memory_space<hbm>> -> memref<50x128xf32, #tpu.memory_space<hbm>>
      %dma_wait3A_949 = arith.constant 0 : i32
      %dma_wait3A_950 = arith.constant 0 : i32
      %dma_wait3A_951 = tpu.memref_slice %arg8[%dma_wait3A_949, %dma_wait3A_950] : memref<400x128xf32, #tpu.memory_space<vmem>> -> memref<50x128xf32, #tpu.memory_space<vmem>>
      tpu.wait_dma2 semaphore(%arg15 : memref<!tpu.dma_semaphore, #tpu.memory_space<semaphore_mem>>) src(%dma_wait3A_951 : memref<50x128xf32, #tpu.memory_space<vmem>>) dst(%dma_wait3A_948 : memref<50x128xf32, #tpu.memory_space<hbm>>)
      %dma_wait3A_952 = arith.constant 0 : i32
      %dma_wait3A_953 = arith.constant 0 : i32
      %dma_wait3A_954 = arith.constant 0 : i32
      %dma_wait3A_955 = tpu.memref_slice %arg8[%dma_wait3A_953, %dma_wait3A_954] : memref<400x128xf32, #tpu.memory_space<vmem>> -> memref<50x128xf32, #tpu.memory_space<vmem>>
      %dma_wait3A_956 = arith.constant 0 : i32
      %dma_wait3A_957 = arith.constant 0 : i32
      %dma_wait3A_958 = tpu.memref_slice %arg4[%dma_wait3A_952, %dma_wait3A_956, %dma_wait3A_957] : memref<4096x50x128xf32, #tpu.memory_space<hbm>> -> memref<1x50x128xf32, #tpu.memory_space<hbm>>
      %dma_wait3A_959 = tpu.memref_squeeze %dma_wait3A_958 : memref<1x50x128xf32, #tpu.memory_space<hbm>> -> memref<50x128xf32, #tpu.memory_space<hbm>>
      %dma_wait3A_960 = arith.constant 0 : i32
      %dma_wait3A_961 = arith.constant 0 : i32
      %dma_wait3A_962 = tpu.memref_slice %arg4[%dma_wait3A_952, %dma_wait3A_960, %dma_wait3A_961] : memref<4096x50x128xf32, #tpu.memory_space<hbm>> -> memref<1x50x128xf32, #tpu.memory_space<hbm>>
      %dma_wait3A_963 = tpu.memref_squeeze %dma_wait3A_962 : memref<1x50x128xf32, #tpu.memory_space<hbm>> -> memref<50x128xf32, #tpu.memory_space<hbm>>
      %dma_wait3A_964 = arith.constant 0 : i32
      %dma_wait3A_965 = arith.constant 0 : i32
      %dma_wait3A_966 = tpu.memref_slice %arg8[%dma_wait3A_964, %dma_wait3A_965] : memref<400x128xf32, #tpu.memory_space<vmem>> -> memref<50x128xf32, #tpu.memory_space<vmem>>
      tpu.wait_dma2 semaphore(%arg15 : memref<!tpu.dma_semaphore, #tpu.memory_space<semaphore_mem>>) src(%dma_wait3A_966 : memref<50x128xf32, #tpu.memory_space<vmem>>) dst(%dma_wait3A_963 : memref<50x128xf32, #tpu.memory_space<hbm>>)
      %dma_wait3A_967 = arith.constant 0 : i32
      %dma_wait3A_968 = tpu.memref_slice %arg3[%dma_wait3A_967] : memref<204800xi32, #tpu.memory_space<hbm>> -> memref<400xi32, #tpu.memory_space<hbm>>
      %dma_wait3A_969 = arith.constant 0 : i32
      %dma_wait3A_970 = tpu.memref_slice %arg3[%dma_wait3A_969] : memref<204800xi32, #tpu.memory_space<hbm>> -> memref<400xi32, #tpu.memory_space<hbm>>
      tpu.wait_dma2 semaphore(%arg11 : memref<!tpu.dma_semaphore, #tpu.memory_space<semaphore_mem>>) src(%dma_wait3A_970 : memref<400xi32, #tpu.memory_space<hbm>>) dst(%arg6 : memref<400xi32, #tpu.memory_space<vmem>>)
      %dma_start3A_971 = arith.constant 0 : i32
      %dma_start3A_972 = arith.constant 0 : i32
      %dma_start3A_973 = tpu.memref_slice %arg9[%dma_start3A_971, %dma_start3A_972] : memref<1026x128xf32, #tpu.memory_space<vmem_shared>> -> memref<1026x128xf32, #tpu.memory_space<vmem_shared>>
      tpu.enqueue_indirect_dma source(%dma_start3A_973 : memref<1026x128xf32, #tpu.memory_space<vmem_shared>>) target(%arg8 : memref<400x128xf32, #tpu.memory_space<vmem>>) offsets(%arg6 : memref<400xi32, #tpu.memory_space<vmem>>) semaphore(%arg13 : memref<!tpu.dma_semaphore, #tpu.memory_space<semaphore_mem>>)
      %dma_wait3A_974 = arith.constant 0 : i32
      %dma_wait3A_975 = arith.constant 0 : i32
      %dma_wait3A_976 = tpu.memref_slice %arg9[%dma_wait3A_974, %dma_wait3A_975] : memref<1026x128xf32, #tpu.memory_space<vmem_shared>> -> memref<1026x128xf32, #tpu.memory_space<vmem_shared>>
      tpu.wait_indirect_dma semaphore(%arg12 : memref<!tpu.dma_semaphore, #tpu.memory_space<semaphore_mem>>) src(%dma_wait3A_976 : memref<1026x128xf32, #tpu.memory_space<vmem_shared>>) dst(%arg7 : memref<400x128xf32, #tpu.memory_space<vmem>>)
      %sub3A_977 = arith.constant 1 : i32
      %sub3A_978 = arith.subi %add3A_846, %sub3A_977 : i32
      %mul3A_979 = arith.constant 8 : i32
      %mul3A_980 = arith.muli %sub3A_978, %mul3A_979 : i32
      %add3A_981 = arith.addi %mul3A_2, %mul3A_980 : i32
      %add3A_982 = arith.constant 0 : i32
      %add3A_983 = arith.addi %add3A_981, %add3A_982 : i32
      %dma_start3A_984 = arith.constant 0 : i32
      %dma_start3A_985 = arith.constant 0 : i32
      %dma_start3A_986 = tpu.memref_slice %arg7[%dma_start3A_984, %dma_start3A_985] : memref<400x128xf32, #tpu.memory_space<vmem>> -> memref<50x128xf32, #tpu.memory_space<vmem>>
      %dma_start3A_987 = arith.constant 0 : i32
      %dma_start3A_988 = arith.constant 0 : i32
      %dma_start3A_989 = tpu.memref_slice %arg4[%add3A_983, %dma_start3A_987, %dma_start3A_988] : memref<4096x50x128xf32, #tpu.memory_space<hbm>> -> memref<1x50x128xf32, #tpu.memory_space<hbm>>
      %dma_start3A_990 = tpu.memref_squeeze %dma_start3A_989 : memref<1x50x128xf32, #tpu.memory_space<hbm>> -> memref<50x128xf32, #tpu.memory_space<hbm>>
      %dma_start3A_991 = arith.constant 0 : i32
      %dma_start3A_992 = arith.constant 0 : i32
      %dma_start3A_993 = tpu.memref_slice %arg4[%add3A_983, %dma_start3A_991, %dma_start3A_992] : memref<4096x50x128xf32, #tpu.memory_space<hbm>> -> memref<1x50x128xf32, #tpu.memory_space<hbm>>
      %dma_start3A_994 = tpu.memref_squeeze %dma_start3A_993 : memref<1x50x128xf32, #tpu.memory_space<hbm>> -> memref<50x128xf32, #tpu.memory_space<hbm>>
      %dma_start3A_995 = arith.constant 0 : i32
      %dma_start3A_996 = arith.constant 0 : i32
      %dma_start3A_997 = tpu.memref_slice %arg7[%dma_start3A_995, %dma_start3A_996] : memref<400x128xf32, #tpu.memory_space<vmem>> -> memref<50x128xf32, #tpu.memory_space<vmem>>
      tpu.enqueue_dma source(%dma_start3A_997 : memref<50x128xf32, #tpu.memory_space<vmem>>) target(%dma_start3A_994 : memref<50x128xf32, #tpu.memory_space<hbm>>) target_semaphore(%arg14 : memref<!tpu.dma_semaphore, #tpu.memory_space<semaphore_mem>>)
      %add3A_998 = arith.constant 1 : i32
      %add3A_999 = arith.addi %add3A_981, %add3A_998 : i32
      %dma_start3A_1000 = arith.constant 50 : i32
      %dma_start3A_1001 = arith.constant 0 : i32
      %dma_start3A_1002 = tpu.memref_slice %arg7[%dma_start3A_1000, %dma_start3A_1001] : memref<400x128xf32, #tpu.memory_space<vmem>> -> memref<50x128xf32, #tpu.memory_space<vmem>>
      %dma_start3A_1003 = arith.constant 0 : i32
      %dma_start3A_1004 = arith.constant 0 : i32
      %dma_start3A_1005 = tpu.memref_slice %arg4[%add3A_999, %dma_start3A_1003, %dma_start3A_1004] : memref<4096x50x128xf32, #tpu.memory_space<hbm>> -> memref<1x50x128xf32, #tpu.memory_space<hbm>>
      %dma_start3A_1006 = tpu.memref_squeeze %dma_start3A_1005 : memref<1x50x128xf32, #tpu.memory_space<hbm>> -> memref<50x128xf32, #tpu.memory_space<hbm>>
      %dma_start3A_1007 = arith.constant 0 : i32
      %dma_start3A_1008 = arith.constant 0 : i32
      %dma_start3A_1009 = tpu.memref_slice %arg4[%add3A_999, %dma_start3A_1007, %dma_start3A_1008] : memref<4096x50x128xf32, #tpu.memory_space<hbm>> -> memref<1x50x128xf32, #tpu.memory_space<hbm>>
      %dma_start3A_1010 = tpu.memref_squeeze %dma_start3A_1009 : memref<1x50x128xf32, #tpu.memory_space<hbm>> -> memref<50x128xf32, #tpu.memory_space<hbm>>
      %dma_start3A_1011 = arith.constant 50 : i32
      %dma_start3A_1012 = arith.constant 0 : i32
      %dma_start3A_1013 = tpu.memref_slice %arg7[%dma_start3A_1011, %dma_start3A_1012] : memref<400x128xf32, #tpu.memory_space<vmem>> -> memref<50x128xf32, #tpu.memory_space<vmem>>
      tpu.enqueue_dma source(%dma_start3A_1013 : memref<50x128xf32, #tpu.memory_space<vmem>>) target(%dma_start3A_1010 : memref<50x128xf32, #tpu.memory_space<hbm>>) target_semaphore(%arg14 : memref<!tpu.dma_semaphore, #tpu.memory_space<semaphore_mem>>)
      %add3A_1014 = arith.constant 2 : i32
      %add3A_1015 = arith.addi %add3A_981, %add3A_1014 : i32
      %dma_start3A_1016 = arith.constant 100 : i32
      %dma_start3A_1017 = arith.constant 0 : i32
      %dma_start3A_1018 = tpu.memref_slice %arg7[%dma_start3A_1016, %dma_start3A_1017] : memref<400x128xf32, #tpu.memory_space<vmem>> -> memref<50x128xf32, #tpu.memory_space<vmem>>
      %dma_start3A_1019 = arith.constant 0 : i32
      %dma_start3A_1020 = arith.constant 0 : i32
      %dma_start3A_1021 = tpu.memref_slice %arg4[%add3A_1015, %dma_start3A_1019, %dma_start3A_1020] : memref<4096x50x128xf32, #tpu.memory_space<hbm>> -> memref<1x50x128xf32, #tpu.memory_space<hbm>>
      %dma_start3A_1022 = tpu.memref_squeeze %dma_start3A_1021 : memref<1x50x128xf32, #tpu.memory_space<hbm>> -> memref<50x128xf32, #tpu.memory_space<hbm>>
      %dma_start3A_1023 = arith.constant 0 : i32
      %dma_start3A_1024 = arith.constant 0 : i32
      %dma_start3A_1025 = tpu.memref_slice %arg4[%add3A_1015, %dma_start3A_1023, %dma_start3A_1024] : memref<4096x50x128xf32, #tpu.memory_space<hbm>> -> memref<1x50x128xf32, #tpu.memory_space<hbm>>
      %dma_start3A_1026 = tpu.memref_squeeze %dma_start3A_1025 : memref<1x50x128xf32, #tpu.memory_space<hbm>> -> memref<50x128xf32, #tpu.memory_space<hbm>>
      %dma_start3A_1027 = arith.constant 100 : i32
      %dma_start3A_1028 = arith.constant 0 : i32
      %dma_start3A_1029 = tpu.memref_slice %arg7[%dma_start3A_1027, %dma_start3A_1028] : memref<400x128xf32, #tpu.memory_space<vmem>> -> memref<50x128xf32, #tpu.memory_space<vmem>>
      tpu.enqueue_dma source(%dma_start3A_1029 : memref<50x128xf32, #tpu.memory_space<vmem>>) target(%dma_start3A_1026 : memref<50x128xf32, #tpu.memory_space<hbm>>) target_semaphore(%arg14 : memref<!tpu.dma_semaphore, #tpu.memory_space<semaphore_mem>>)
      %add3A_1030 = arith.constant 3 : i32
      %add3A_1031 = arith.addi %add3A_981, %add3A_1030 : i32
      %dma_start3A_1032 = arith.constant 150 : i32
      %dma_start3A_1033 = arith.constant 0 : i32
      %dma_start3A_1034 = tpu.memref_slice %arg7[%dma_start3A_1032, %dma_start3A_1033] : memref<400x128xf32, #tpu.memory_space<vmem>> -> memref<50x128xf32, #tpu.memory_space<vmem>>
      %dma_start3A_1035 = arith.constant 0 : i32
      %dma_start3A_1036 = arith.constant 0 : i32
      %dma_start3A_1037 = tpu.memref_slice %arg4[%add3A_1031, %dma_start3A_1035, %dma_start3A_1036] : memref<4096x50x128xf32, #tpu.memory_space<hbm>> -> memref<1x50x128xf32, #tpu.memory_space<hbm>>
      %dma_start3A_1038 = tpu.memref_squeeze %dma_start3A_1037 : memref<1x50x128xf32, #tpu.memory_space<hbm>> -> memref<50x128xf32, #tpu.memory_space<hbm>>
      %dma_start3A_1039 = arith.constant 0 : i32
      %dma_start3A_1040 = arith.constant 0 : i32
      %dma_start3A_1041 = tpu.memref_slice %arg4[%add3A_1031, %dma_start3A_1039, %dma_start3A_1040] : memref<4096x50x128xf32, #tpu.memory_space<hbm>> -> memref<1x50x128xf32, #tpu.memory_space<hbm>>
      %dma_start3A_1042 = tpu.memref_squeeze %dma_start3A_1041 : memref<1x50x128xf32, #tpu.memory_space<hbm>> -> memref<50x128xf32, #tpu.memory_space<hbm>>
      %dma_start3A_1043 = arith.constant 150 : i32
      %dma_start3A_1044 = arith.constant 0 : i32
      %dma_start3A_1045 = tpu.memref_slice %arg7[%dma_start3A_1043, %dma_start3A_1044] : memref<400x128xf32, #tpu.memory_space<vmem>> -> memref<50x128xf32, #tpu.memory_space<vmem>>
      tpu.enqueue_dma source(%dma_start3A_1045 : memref<50x128xf32, #tpu.memory_space<vmem>>) target(%dma_start3A_1042 : memref<50x128xf32, #tpu.memory_space<hbm>>) target_semaphore(%arg14 : memref<!tpu.dma_semaphore, #tpu.memory_space<semaphore_mem>>)
      %add3A_1046 = arith.constant 4 : i32
      %add3A_1047 = arith.addi %add3A_981, %add3A_1046 : i32
      %dma_start3A_1048 = arith.constant 200 : i32
      %dma_start3A_1049 = arith.constant 0 : i32
      %dma_start3A_1050 = tpu.memref_slice %arg7[%dma_start3A_1048, %dma_start3A_1049] : memref<400x128xf32, #tpu.memory_space<vmem>> -> memref<50x128xf32, #tpu.memory_space<vmem>>
      %dma_start3A_1051 = arith.constant 0 : i32
      %dma_start3A_1052 = arith.constant 0 : i32
      %dma_start3A_1053 = tpu.memref_slice %arg4[%add3A_1047, %dma_start3A_1051, %dma_start3A_1052] : memref<4096x50x128xf32, #tpu.memory_space<hbm>> -> memref<1x50x128xf32, #tpu.memory_space<hbm>>
      %dma_start3A_1054 = tpu.memref_squeeze %dma_start3A_1053 : memref<1x50x128xf32, #tpu.memory_space<hbm>> -> memref<50x128xf32, #tpu.memory_space<hbm>>
      %dma_start3A_1055 = arith.constant 0 : i32
      %dma_start3A_1056 = arith.constant 0 : i32
      %dma_start3A_1057 = tpu.memref_slice %arg4[%add3A_1047, %dma_start3A_1055, %dma_start3A_1056] : memref<4096x50x128xf32, #tpu.memory_space<hbm>> -> memref<1x50x128xf32, #tpu.memory_space<hbm>>
      %dma_start3A_1058 = tpu.memref_squeeze %dma_start3A_1057 : memref<1x50x128xf32, #tpu.memory_space<hbm>> -> memref<50x128xf32, #tpu.memory_space<hbm>>
      %dma_start3A_1059 = arith.constant 200 : i32
      %dma_start3A_1060 = arith.constant 0 : i32
      %dma_start3A_1061 = tpu.memref_slice %arg7[%dma_start3A_1059, %dma_start3A_1060] : memref<400x128xf32, #tpu.memory_space<vmem>> -> memref<50x128xf32, #tpu.memory_space<vmem>>
      tpu.enqueue_dma source(%dma_start3A_1061 : memref<50x128xf32, #tpu.memory_space<vmem>>) target(%dma_start3A_1058 : memref<50x128xf32, #tpu.memory_space<hbm>>) target_semaphore(%arg14 : memref<!tpu.dma_semaphore, #tpu.memory_space<semaphore_mem>>)
      %add3A_1062 = arith.constant 5 : i32
      %add3A_1063 = arith.addi %add3A_981, %add3A_1062 : i32
      %dma_start3A_1064 = arith.constant 250 : i32
      %dma_start3A_1065 = arith.constant 0 : i32
      %dma_start3A_1066 = tpu.memref_slice %arg7[%dma_start3A_1064, %dma_start3A_1065] : memref<400x128xf32, #tpu.memory_space<vmem>> -> memref<50x128xf32, #tpu.memory_space<vmem>>
      %dma_start3A_1067 = arith.constant 0 : i32
      %dma_start3A_1068 = arith.constant 0 : i32
      %dma_start3A_1069 = tpu.memref_slice %arg4[%add3A_1063, %dma_start3A_1067, %dma_start3A_1068] : memref<4096x50x128xf32, #tpu.memory_space<hbm>> -> memref<1x50x128xf32, #tpu.memory_space<hbm>>
      %dma_start3A_1070 = tpu.memref_squeeze %dma_start3A_1069 : memref<1x50x128xf32, #tpu.memory_space<hbm>> -> memref<50x128xf32, #tpu.memory_space<hbm>>
      %dma_start3A_1071 = arith.constant 0 : i32
      %dma_start3A_1072 = arith.constant 0 : i32
      %dma_start3A_1073 = tpu.memref_slice %arg4[%add3A_1063, %dma_start3A_1071, %dma_start3A_1072] : memref<4096x50x128xf32, #tpu.memory_space<hbm>> -> memref<1x50x128xf32, #tpu.memory_space<hbm>>
      %dma_start3A_1074 = tpu.memref_squeeze %dma_start3A_1073 : memref<1x50x128xf32, #tpu.memory_space<hbm>> -> memref<50x128xf32, #tpu.memory_space<hbm>>
      %dma_start3A_1075 = arith.constant 250 : i32
      %dma_start3A_1076 = arith.constant 0 : i32
      %dma_start3A_1077 = tpu.memref_slice %arg7[%dma_start3A_1075, %dma_start3A_1076] : memref<400x128xf32, #tpu.memory_space<vmem>> -> memref<50x128xf32, #tpu.memory_space<vmem>>
      tpu.enqueue_dma source(%dma_start3A_1077 : memref<50x128xf32, #tpu.memory_space<vmem>>) target(%dma_start3A_1074 : memref<50x128xf32, #tpu.memory_space<hbm>>) target_semaphore(%arg14 : memref<!tpu.dma_semaphore, #tpu.memory_space<semaphore_mem>>)
      %add3A_1078 = arith.constant 6 : i32
      %add3A_1079 = arith.addi %add3A_981, %add3A_1078 : i32
      %dma_start3A_1080 = arith.constant 300 : i32
      %dma_start3A_1081 = arith.constant 0 : i32
      %dma_start3A_1082 = tpu.memref_slice %arg7[%dma_start3A_1080, %dma_start3A_1081] : memref<400x128xf32, #tpu.memory_space<vmem>> -> memref<50x128xf32, #tpu.memory_space<vmem>>
      %dma_start3A_1083 = arith.constant 0 : i32
      %dma_start3A_1084 = arith.constant 0 : i32
      %dma_start3A_1085 = tpu.memref_slice %arg4[%add3A_1079, %dma_start3A_1083, %dma_start3A_1084] : memref<4096x50x128xf32, #tpu.memory_space<hbm>> -> memref<1x50x128xf32, #tpu.memory_space<hbm>>
      %dma_start3A_1086 = tpu.memref_squeeze %dma_start3A_1085 : memref<1x50x128xf32, #tpu.memory_space<hbm>> -> memref<50x128xf32, #tpu.memory_space<hbm>>
      %dma_start3A_1087 = arith.constant 0 : i32
      %dma_start3A_1088 = arith.constant 0 : i32
      %dma_start3A_1089 = tpu.memref_slice %arg4[%add3A_1079, %dma_start3A_1087, %dma_start3A_1088] : memref<4096x50x128xf32, #tpu.memory_space<hbm>> -> memref<1x50x128xf32, #tpu.memory_space<hbm>>
      %dma_start3A_1090 = tpu.memref_squeeze %dma_start3A_1089 : memref<1x50x128xf32, #tpu.memory_space<hbm>> -> memref<50x128xf32, #tpu.memory_space<hbm>>
      %dma_start3A_1091 = arith.constant 300 : i32
      %dma_start3A_1092 = arith.constant 0 : i32
      %dma_start3A_1093 = tpu.memref_slice %arg7[%dma_start3A_1091, %dma_start3A_1092] : memref<400x128xf32, #tpu.memory_space<vmem>> -> memref<50x128xf32, #tpu.memory_space<vmem>>
      tpu.enqueue_dma source(%dma_start3A_1093 : memref<50x128xf32, #tpu.memory_space<vmem>>) target(%dma_start3A_1090 : memref<50x128xf32, #tpu.memory_space<hbm>>) target_semaphore(%arg14 : memref<!tpu.dma_semaphore, #tpu.memory_space<semaphore_mem>>)
      %add3A_1094 = arith.constant 7 : i32
      %add3A_1095 = arith.addi %add3A_981, %add3A_1094 : i32
      %dma_start3A_1096 = arith.constant 350 : i32
      %dma_start3A_1097 = arith.constant 0 : i32
      %dma_start3A_1098 = tpu.memref_slice %arg7[%dma_start3A_1096, %dma_start3A_1097] : memref<400x128xf32, #tpu.memory_space<vmem>> -> memref<50x128xf32, #tpu.memory_space<vmem>>
      %dma_start3A_1099 = arith.constant 0 : i32
      %dma_start3A_1100 = arith.constant 0 : i32
      %dma_start3A_1101 = tpu.memref_slice %arg4[%add3A_1095, %dma_start3A_1099, %dma_start3A_1100] : memref<4096x50x128xf32, #tpu.memory_space<hbm>> -> memref<1x50x128xf32, #tpu.memory_space<hbm>>
      %dma_start3A_1102 = tpu.memref_squeeze %dma_start3A_1101 : memref<1x50x128xf32, #tpu.memory_space<hbm>> -> memref<50x128xf32, #tpu.memory_space<hbm>>
      %dma_start3A_1103 = arith.constant 0 : i32
      %dma_start3A_1104 = arith.constant 0 : i32
      %dma_start3A_1105 = tpu.memref_slice %arg4[%add3A_1095, %dma_start3A_1103, %dma_start3A_1104] : memref<4096x50x128xf32, #tpu.memory_space<hbm>> -> memref<1x50x128xf32, #tpu.memory_space<hbm>>
      %dma_start3A_1106 = tpu.memref_squeeze %dma_start3A_1105 : memref<1x50x128xf32, #tpu.memory_space<hbm>> -> memref<50x128xf32, #tpu.memory_space<hbm>>
      %dma_start3A_1107 = arith.constant 350 : i32
      %dma_start3A_1108 = arith.constant 0 : i32
      %dma_start3A_1109 = tpu.memref_slice %arg7[%dma_start3A_1107, %dma_start3A_1108] : memref<400x128xf32, #tpu.memory_space<vmem>> -> memref<50x128xf32, #tpu.memory_space<vmem>>
      tpu.enqueue_dma source(%dma_start3A_1109 : memref<50x128xf32, #tpu.memory_space<vmem>>) target(%dma_start3A_1106 : memref<50x128xf32, #tpu.memory_space<hbm>>) target_semaphore(%arg14 : memref<!tpu.dma_semaphore, #tpu.memory_space<semaphore_mem>>)
      %add3A_1110 = arith.constant 1 : i32
      %add3A_1111 = arith.addi %add3A_846, %add3A_1110 : i32
      %min3A_1112 = arith.constant 15 : i32
      %min3A_1113 = arith.minsi %add3A_1111, %min3A_1112 : i32
      %mul3A_1114 = arith.constant 8 : i32
      %mul3A_1115 = arith.muli %min3A_1113, %mul3A_1114 : i32
      %add3A_1116 = arith.addi %mul3A_2, %mul3A_1115 : i32
      %mul3A_1117 = arith.constant 50 : i32
      %mul3A_1118 = arith.muli %add3A_1116, %mul3A_1117 : i32
      %dma_start3A_1119 = tpu.memref_slice %arg3[%mul3A_1118] : memref<204800xi32, #tpu.memory_space<hbm>> -> memref<400xi32, #tpu.memory_space<hbm>>
      %dma_start3A_1120 = tpu.memref_slice %arg3[%mul3A_1118] : memref<204800xi32, #tpu.memory_space<hbm>> -> memref<400xi32, #tpu.memory_space<hbm>>
      tpu.enqueue_dma source(%dma_start3A_1120 : memref<400xi32, #tpu.memory_space<hbm>>) target(%arg5 : memref<400xi32, #tpu.memory_space<vmem>>) target_semaphore(%arg10 : memref<!tpu.dma_semaphore, #tpu.memory_space<semaphore_mem>>)
    }
    %scan3A_183 = arith.constant 7 : i32
    %dma_wait3A_184 = arith.constant 0 : i32
    %dma_wait3A_185 = arith.constant 0 : i32
    %dma_wait3A_186 = tpu.memref_slice %arg9[%dma_wait3A_184, %dma_wait3A_185] : memref<1026x128xf32, #tpu.memory_space<vmem_shared>> -> memref<1026x128xf32, #tpu.memory_space<vmem_shared>>
    tpu.wait_indirect_dma semaphore(%arg13 : memref<!tpu.dma_semaphore, #tpu.memory_space<semaphore_mem>>) src(%dma_wait3A_186 : memref<1026x128xf32, #tpu.memory_space<vmem_shared>>) dst(%arg8 : memref<400x128xf32, #tpu.memory_space<vmem>>)
    %add3A_187 = arith.constant 120 : i32
    %add3A_188 = arith.addi %mul3A_2, %add3A_187 : i32
    %add3A_189 = arith.constant 0 : i32
    %add3A_190 = arith.addi %add3A_188, %add3A_189 : i32
    %dma_start3A_191 = arith.constant 0 : i32
    %dma_start3A_192 = arith.constant 0 : i32
    %dma_start3A_193 = tpu.memref_slice %arg8[%dma_start3A_191, %dma_start3A_192] : memref<400x128xf32, #tpu.memory_space<vmem>> -> memref<50x128xf32, #tpu.memory_space<vmem>>
    %dma_start3A_194 = arith.constant 0 : i32
    %dma_start3A_195 = arith.constant 0 : i32
    %dma_start3A_196 = tpu.memref_slice %arg4[%add3A_190, %dma_start3A_194, %dma_start3A_195] : memref<4096x50x128xf32, #tpu.memory_space<hbm>> -> memref<1x50x128xf32, #tpu.memory_space<hbm>>
    %dma_start3A_197 = tpu.memref_squeeze %dma_start3A_196 : memref<1x50x128xf32, #tpu.memory_space<hbm>> -> memref<50x128xf32, #tpu.memory_space<hbm>>
    %dma_start3A_198 = arith.constant 0 : i32
    %dma_start3A_199 = arith.constant 0 : i32
    %dma_start3A_200 = tpu.memref_slice %arg4[%add3A_190, %dma_start3A_198, %dma_start3A_199] : memref<4096x50x128xf32, #tpu.memory_space<hbm>> -> memref<1x50x128xf32, #tpu.memory_space<hbm>>
    %dma_start3A_201 = tpu.memref_squeeze %dma_start3A_200 : memref<1x50x128xf32, #tpu.memory_space<hbm>> -> memref<50x128xf32, #tpu.memory_space<hbm>>
    %dma_start3A_202 = arith.constant 0 : i32
    %dma_start3A_203 = arith.constant 0 : i32
    %dma_start3A_204 = tpu.memref_slice %arg8[%dma_start3A_202, %dma_start3A_203] : memref<400x128xf32, #tpu.memory_space<vmem>> -> memref<50x128xf32, #tpu.memory_space<vmem>>
    tpu.enqueue_dma source(%dma_start3A_204 : memref<50x128xf32, #tpu.memory_space<vmem>>) target(%dma_start3A_201 : memref<50x128xf32, #tpu.memory_space<hbm>>) target_semaphore(%arg15 : memref<!tpu.dma_semaphore, #tpu.memory_space<semaphore_mem>>)
    %add3A_205 = arith.constant 1 : i32
    %add3A_206 = arith.addi %add3A_188, %add3A_205 : i32
    %dma_start3A_207 = arith.constant 50 : i32
    %dma_start3A_208 = arith.constant 0 : i32
    %dma_start3A_209 = tpu.memref_slice %arg8[%dma_start3A_207, %dma_start3A_208] : memref<400x128xf32, #tpu.memory_space<vmem>> -> memref<50x128xf32, #tpu.memory_space<vmem>>
    %dma_start3A_210 = arith.constant 0 : i32
    %dma_start3A_211 = arith.constant 0 : i32
    %dma_start3A_212 = tpu.memref_slice %arg4[%add3A_206, %dma_start3A_210, %dma_start3A_211] : memref<4096x50x128xf32, #tpu.memory_space<hbm>> -> memref<1x50x128xf32, #tpu.memory_space<hbm>>
    %dma_start3A_213 = tpu.memref_squeeze %dma_start3A_212 : memref<1x50x128xf32, #tpu.memory_space<hbm>> -> memref<50x128xf32, #tpu.memory_space<hbm>>
    %dma_start3A_214 = arith.constant 0 : i32
    %dma_start3A_215 = arith.constant 0 : i32
    %dma_start3A_216 = tpu.memref_slice %arg4[%add3A_206, %dma_start3A_214, %dma_start3A_215] : memref<4096x50x128xf32, #tpu.memory_space<hbm>> -> memref<1x50x128xf32, #tpu.memory_space<hbm>>
    %dma_start3A_217 = tpu.memref_squeeze %dma_start3A_216 : memref<1x50x128xf32, #tpu.memory_space<hbm>> -> memref<50x128xf32, #tpu.memory_space<hbm>>
    %dma_start3A_218 = arith.constant 50 : i32
    %dma_start3A_219 = arith.constant 0 : i32
    %dma_start3A_220 = tpu.memref_slice %arg8[%dma_start3A_218, %dma_start3A_219] : memref<400x128xf32, #tpu.memory_space<vmem>> -> memref<50x128xf32, #tpu.memory_space<vmem>>
    tpu.enqueue_dma source(%dma_start3A_220 : memref<50x128xf32, #tpu.memory_space<vmem>>) target(%dma_start3A_217 : memref<50x128xf32, #tpu.memory_space<hbm>>) target_semaphore(%arg15 : memref<!tpu.dma_semaphore, #tpu.memory_space<semaphore_mem>>)
    %add3A_221 = arith.constant 2 : i32
    %add3A_222 = arith.addi %add3A_188, %add3A_221 : i32
    %dma_start3A_223 = arith.constant 100 : i32
    %dma_start3A_224 = arith.constant 0 : i32
    %dma_start3A_225 = tpu.memref_slice %arg8[%dma_start3A_223, %dma_start3A_224] : memref<400x128xf32, #tpu.memory_space<vmem>> -> memref<50x128xf32, #tpu.memory_space<vmem>>
    %dma_start3A_226 = arith.constant 0 : i32
    %dma_start3A_227 = arith.constant 0 : i32
    %dma_start3A_228 = tpu.memref_slice %arg4[%add3A_222, %dma_start3A_226, %dma_start3A_227] : memref<4096x50x128xf32, #tpu.memory_space<hbm>> -> memref<1x50x128xf32, #tpu.memory_space<hbm>>
    %dma_start3A_229 = tpu.memref_squeeze %dma_start3A_228 : memref<1x50x128xf32, #tpu.memory_space<hbm>> -> memref<50x128xf32, #tpu.memory_space<hbm>>
    %dma_start3A_230 = arith.constant 0 : i32
    %dma_start3A_231 = arith.constant 0 : i32
    %dma_start3A_232 = tpu.memref_slice %arg4[%add3A_222, %dma_start3A_230, %dma_start3A_231] : memref<4096x50x128xf32, #tpu.memory_space<hbm>> -> memref<1x50x128xf32, #tpu.memory_space<hbm>>
    %dma_start3A_233 = tpu.memref_squeeze %dma_start3A_232 : memref<1x50x128xf32, #tpu.memory_space<hbm>> -> memref<50x128xf32, #tpu.memory_space<hbm>>
    %dma_start3A_234 = arith.constant 100 : i32
    %dma_start3A_235 = arith.constant 0 : i32
    %dma_start3A_236 = tpu.memref_slice %arg8[%dma_start3A_234, %dma_start3A_235] : memref<400x128xf32, #tpu.memory_space<vmem>> -> memref<50x128xf32, #tpu.memory_space<vmem>>
    tpu.enqueue_dma source(%dma_start3A_236 : memref<50x128xf32, #tpu.memory_space<vmem>>) target(%dma_start3A_233 : memref<50x128xf32, #tpu.memory_space<hbm>>) target_semaphore(%arg15 : memref<!tpu.dma_semaphore, #tpu.memory_space<semaphore_mem>>)
    %add3A_237 = arith.constant 3 : i32
    %add3A_238 = arith.addi %add3A_188, %add3A_237 : i32
    %dma_start3A_239 = arith.constant 150 : i32
    %dma_start3A_240 = arith.constant 0 : i32
    %dma_start3A_241 = tpu.memref_slice %arg8[%dma_start3A_239, %dma_start3A_240] : memref<400x128xf32, #tpu.memory_space<vmem>> -> memref<50x128xf32, #tpu.memory_space<vmem>>
    %dma_start3A_242 = arith.constant 0 : i32
    %dma_start3A_243 = arith.constant 0 : i32
    %dma_start3A_244 = tpu.memref_slice %arg4[%add3A_238, %dma_start3A_242, %dma_start3A_243] : memref<4096x50x128xf32, #tpu.memory_space<hbm>> -> memref<1x50x128xf32, #tpu.memory_space<hbm>>
    %dma_start3A_245 = tpu.memref_squeeze %dma_start3A_244 : memref<1x50x128xf32, #tpu.memory_space<hbm>> -> memref<50x128xf32, #tpu.memory_space<hbm>>
    %dma_start3A_246 = arith.constant 0 : i32
    %dma_start3A_247 = arith.constant 0 : i32
    %dma_start3A_248 = tpu.memref_slice %arg4[%add3A_238, %dma_start3A_246, %dma_start3A_247] : memref<4096x50x128xf32, #tpu.memory_space<hbm>> -> memref<1x50x128xf32, #tpu.memory_space<hbm>>
    %dma_start3A_249 = tpu.memref_squeeze %dma_start3A_248 : memref<1x50x128xf32, #tpu.memory_space<hbm>> -> memref<50x128xf32, #tpu.memory_space<hbm>>
    %dma_start3A_250 = arith.constant 150 : i32
    %dma_start3A_251 = arith.constant 0 : i32
    %dma_start3A_252 = tpu.memref_slice %arg8[%dma_start3A_250, %dma_start3A_251] : memref<400x128xf32, #tpu.memory_space<vmem>> -> memref<50x128xf32, #tpu.memory_space<vmem>>
    tpu.enqueue_dma source(%dma_start3A_252 : memref<50x128xf32, #tpu.memory_space<vmem>>) target(%dma_start3A_249 : memref<50x128xf32, #tpu.memory_space<hbm>>) target_semaphore(%arg15 : memref<!tpu.dma_semaphore, #tpu.memory_space<semaphore_mem>>)
    %add3A_253 = arith.constant 4 : i32
    %add3A_254 = arith.addi %add3A_188, %add3A_253 : i32
    %dma_start3A_255 = arith.constant 200 : i32
    %dma_start3A_256 = arith.constant 0 : i32
    %dma_start3A_257 = tpu.memref_slice %arg8[%dma_start3A_255, %dma_start3A_256] : memref<400x128xf32, #tpu.memory_space<vmem>> -> memref<50x128xf32, #tpu.memory_space<vmem>>
    %dma_start3A_258 = arith.constant 0 : i32
    %dma_start3A_259 = arith.constant 0 : i32
    %dma_start3A_260 = tpu.memref_slice %arg4[%add3A_254, %dma_start3A_258, %dma_start3A_259] : memref<4096x50x128xf32, #tpu.memory_space<hbm>> -> memref<1x50x128xf32, #tpu.memory_space<hbm>>
    %dma_start3A_261 = tpu.memref_squeeze %dma_start3A_260 : memref<1x50x128xf32, #tpu.memory_space<hbm>> -> memref<50x128xf32, #tpu.memory_space<hbm>>
    %dma_start3A_262 = arith.constant 0 : i32
    %dma_start3A_263 = arith.constant 0 : i32
    %dma_start3A_264 = tpu.memref_slice %arg4[%add3A_254, %dma_start3A_262, %dma_start3A_263] : memref<4096x50x128xf32, #tpu.memory_space<hbm>> -> memref<1x50x128xf32, #tpu.memory_space<hbm>>
    %dma_start3A_265 = tpu.memref_squeeze %dma_start3A_264 : memref<1x50x128xf32, #tpu.memory_space<hbm>> -> memref<50x128xf32, #tpu.memory_space<hbm>>
    %dma_start3A_266 = arith.constant 200 : i32
    %dma_start3A_267 = arith.constant 0 : i32
    %dma_start3A_268 = tpu.memref_slice %arg8[%dma_start3A_266, %dma_start3A_267] : memref<400x128xf32, #tpu.memory_space<vmem>> -> memref<50x128xf32, #tpu.memory_space<vmem>>
    tpu.enqueue_dma source(%dma_start3A_268 : memref<50x128xf32, #tpu.memory_space<vmem>>) target(%dma_start3A_265 : memref<50x128xf32, #tpu.memory_space<hbm>>) target_semaphore(%arg15 : memref<!tpu.dma_semaphore, #tpu.memory_space<semaphore_mem>>)
    %add3A_269 = arith.constant 5 : i32
    %add3A_270 = arith.addi %add3A_188, %add3A_269 : i32
    %dma_start3A_271 = arith.constant 250 : i32
    %dma_start3A_272 = arith.constant 0 : i32
    %dma_start3A_273 = tpu.memref_slice %arg8[%dma_start3A_271, %dma_start3A_272] : memref<400x128xf32, #tpu.memory_space<vmem>> -> memref<50x128xf32, #tpu.memory_space<vmem>>
    %dma_start3A_274 = arith.constant 0 : i32
    %dma_start3A_275 = arith.constant 0 : i32
    %dma_start3A_276 = tpu.memref_slice %arg4[%add3A_270, %dma_start3A_274, %dma_start3A_275] : memref<4096x50x128xf32, #tpu.memory_space<hbm>> -> memref<1x50x128xf32, #tpu.memory_space<hbm>>
    %dma_start3A_277 = tpu.memref_squeeze %dma_start3A_276 : memref<1x50x128xf32, #tpu.memory_space<hbm>> -> memref<50x128xf32, #tpu.memory_space<hbm>>
    %dma_start3A_278 = arith.constant 0 : i32
    %dma_start3A_279 = arith.constant 0 : i32
    %dma_start3A_280 = tpu.memref_slice %arg4[%add3A_270, %dma_start3A_278, %dma_start3A_279] : memref<4096x50x128xf32, #tpu.memory_space<hbm>> -> memref<1x50x128xf32, #tpu.memory_space<hbm>>
    %dma_start3A_281 = tpu.memref_squeeze %dma_start3A_280 : memref<1x50x128xf32, #tpu.memory_space<hbm>> -> memref<50x128xf32, #tpu.memory_space<hbm>>
    %dma_start3A_282 = arith.constant 250 : i32
    %dma_start3A_283 = arith.constant 0 : i32
    %dma_start3A_284 = tpu.memref_slice %arg8[%dma_start3A_282, %dma_start3A_283] : memref<400x128xf32, #tpu.memory_space<vmem>> -> memref<50x128xf32, #tpu.memory_space<vmem>>
    tpu.enqueue_dma source(%dma_start3A_284 : memref<50x128xf32, #tpu.memory_space<vmem>>) target(%dma_start3A_281 : memref<50x128xf32, #tpu.memory_space<hbm>>) target_semaphore(%arg15 : memref<!tpu.dma_semaphore, #tpu.memory_space<semaphore_mem>>)
    %add3A_285 = arith.constant 6 : i32
    %add3A_286 = arith.addi %add3A_188, %add3A_285 : i32
    %dma_start3A_287 = arith.constant 300 : i32
    %dma_start3A_288 = arith.constant 0 : i32
    %dma_start3A_289 = tpu.memref_slice %arg8[%dma_start3A_287, %dma_start3A_288] : memref<400x128xf32, #tpu.memory_space<vmem>> -> memref<50x128xf32, #tpu.memory_space<vmem>>
    %dma_start3A_290 = arith.constant 0 : i32
    %dma_start3A_291 = arith.constant 0 : i32
    %dma_start3A_292 = tpu.memref_slice %arg4[%add3A_286, %dma_start3A_290, %dma_start3A_291] : memref<4096x50x128xf32, #tpu.memory_space<hbm>> -> memref<1x50x128xf32, #tpu.memory_space<hbm>>
    %dma_start3A_293 = tpu.memref_squeeze %dma_start3A_292 : memref<1x50x128xf32, #tpu.memory_space<hbm>> -> memref<50x128xf32, #tpu.memory_space<hbm>>
    %dma_start3A_294 = arith.constant 0 : i32
    %dma_start3A_295 = arith.constant 0 : i32
    %dma_start3A_296 = tpu.memref_slice %arg4[%add3A_286, %dma_start3A_294, %dma_start3A_295] : memref<4096x50x128xf32, #tpu.memory_space<hbm>> -> memref<1x50x128xf32, #tpu.memory_space<hbm>>
    %dma_start3A_297 = tpu.memref_squeeze %dma_start3A_296 : memref<1x50x128xf32, #tpu.memory_space<hbm>> -> memref<50x128xf32, #tpu.memory_space<hbm>>
    %dma_start3A_298 = arith.constant 300 : i32
    %dma_start3A_299 = arith.constant 0 : i32
    %dma_start3A_300 = tpu.memref_slice %arg8[%dma_start3A_298, %dma_start3A_299] : memref<400x128xf32, #tpu.memory_space<vmem>> -> memref<50x128xf32, #tpu.memory_space<vmem>>
    tpu.enqueue_dma source(%dma_start3A_300 : memref<50x128xf32, #tpu.memory_space<vmem>>) target(%dma_start3A_297 : memref<50x128xf32, #tpu.memory_space<hbm>>) target_semaphore(%arg15 : memref<!tpu.dma_semaphore, #tpu.memory_space<semaphore_mem>>)
    %add3A_301 = arith.constant 7 : i32
    %add3A_302 = arith.addi %add3A_188, %add3A_301 : i32
    %dma_start3A_303 = arith.constant 350 : i32
    %dma_start3A_304 = arith.constant 0 : i32
    %dma_start3A_305 = tpu.memref_slice %arg8[%dma_start3A_303, %dma_start3A_304] : memref<400x128xf32, #tpu.memory_space<vmem>> -> memref<50x128xf32, #tpu.memory_space<vmem>>
    %dma_start3A_306 = arith.constant 0 : i32
    %dma_start3A_307 = arith.constant 0 : i32
    %dma_start3A_308 = tpu.memref_slice %arg4[%add3A_302, %dma_start3A_306, %dma_start3A_307] : memref<4096x50x128xf32, #tpu.memory_space<hbm>> -> memref<1x50x128xf32, #tpu.memory_space<hbm>>
    %dma_start3A_309 = tpu.memref_squeeze %dma_start3A_308 : memref<1x50x128xf32, #tpu.memory_space<hbm>> -> memref<50x128xf32, #tpu.memory_space<hbm>>
    %dma_start3A_310 = arith.constant 0 : i32
    %dma_start3A_311 = arith.constant 0 : i32
    %dma_start3A_312 = tpu.memref_slice %arg4[%add3A_302, %dma_start3A_310, %dma_start3A_311] : memref<4096x50x128xf32, #tpu.memory_space<hbm>> -> memref<1x50x128xf32, #tpu.memory_space<hbm>>
    %dma_start3A_313 = tpu.memref_squeeze %dma_start3A_312 : memref<1x50x128xf32, #tpu.memory_space<hbm>> -> memref<50x128xf32, #tpu.memory_space<hbm>>
    %dma_start3A_314 = arith.constant 350 : i32
    %dma_start3A_315 = arith.constant 0 : i32
    %dma_start3A_316 = tpu.memref_slice %arg8[%dma_start3A_314, %dma_start3A_315] : memref<400x128xf32, #tpu.memory_space<vmem>> -> memref<50x128xf32, #tpu.memory_space<vmem>>
    tpu.enqueue_dma source(%dma_start3A_316 : memref<50x128xf32, #tpu.memory_space<vmem>>) target(%dma_start3A_313 : memref<50x128xf32, #tpu.memory_space<hbm>>) target_semaphore(%arg15 : memref<!tpu.dma_semaphore, #tpu.memory_space<semaphore_mem>>)
    %dma_wait3A_317 = arith.constant 0 : i32
    %dma_wait3A_318 = arith.constant 0 : i32
    %dma_wait3A_319 = arith.constant 0 : i32
    %dma_wait3A_320 = tpu.memref_slice %arg7[%dma_wait3A_318, %dma_wait3A_319] : memref<400x128xf32, #tpu.memory_space<vmem>> -> memref<50x128xf32, #tpu.memory_space<vmem>>
    %dma_wait3A_321 = arith.constant 0 : i32
    %dma_wait3A_322 = arith.constant 0 : i32
    %dma_wait3A_323 = tpu.memref_slice %arg4[%dma_wait3A_317, %dma_wait3A_321, %dma_wait3A_322] : memref<4096x50x128xf32, #tpu.memory_space<hbm>> -> memref<1x50x128xf32, #tpu.memory_space<hbm>>
    %dma_wait3A_324 = tpu.memref_squeeze %dma_wait3A_323 : memref<1x50x128xf32, #tpu.memory_space<hbm>> -> memref<50x128xf32, #tpu.memory_space<hbm>>
    %dma_wait3A_325 = arith.constant 0 : i32
    %dma_wait3A_326 = arith.constant 0 : i32
    %dma_wait3A_327 = tpu.memref_slice %arg4[%dma_wait3A_317, %dma_wait3A_325, %dma_wait3A_326] : memref<4096x50x128xf32, #tpu.memory_space<hbm>> -> memref<1x50x128xf32, #tpu.memory_space<hbm>>
    %dma_wait3A_328 = tpu.memref_squeeze %dma_wait3A_327 : memref<1x50x128xf32, #tpu.memory_space<hbm>> -> memref<50x128xf32, #tpu.memory_space<hbm>>
    %dma_wait3A_329 = arith.constant 0 : i32
    %dma_wait3A_330 = arith.constant 0 : i32
    %dma_wait3A_331 = tpu.memref_slice %arg7[%dma_wait3A_329, %dma_wait3A_330] : memref<400x128xf32, #tpu.memory_space<vmem>> -> memref<50x128xf32, #tpu.memory_space<vmem>>
    tpu.wait_dma2 semaphore(%arg14 : memref<!tpu.dma_semaphore, #tpu.memory_space<semaphore_mem>>) src(%dma_wait3A_331 : memref<50x128xf32, #tpu.memory_space<vmem>>) dst(%dma_wait3A_328 : memref<50x128xf32, #tpu.memory_space<hbm>>)
    %dma_wait3A_332 = arith.constant 0 : i32
    %dma_wait3A_333 = arith.constant 0 : i32
    %dma_wait3A_334 = arith.constant 0 : i32
    %dma_wait3A_335 = tpu.memref_slice %arg7[%dma_wait3A_333, %dma_wait3A_334] : memref<400x128xf32, #tpu.memory_space<vmem>> -> memref<50x128xf32, #tpu.memory_space<vmem>>
    %dma_wait3A_336 = arith.constant 0 : i32
    %dma_wait3A_337 = arith.constant 0 : i32
    %dma_wait3A_338 = tpu.memref_slice %arg4[%dma_wait3A_332, %dma_wait3A_336, %dma_wait3A_337] : memref<4096x50x128xf32, #tpu.memory_space<hbm>> -> memref<1x50x128xf32, #tpu.memory_space<hbm>>
    %dma_wait3A_339 = tpu.memref_squeeze %dma_wait3A_338 : memref<1x50x128xf32, #tpu.memory_space<hbm>> -> memref<50x128xf32, #tpu.memory_space<hbm>>
    %dma_wait3A_340 = arith.constant 0 : i32
    %dma_wait3A_341 = arith.constant 0 : i32
    %dma_wait3A_342 = tpu.memref_slice %arg4[%dma_wait3A_332, %dma_wait3A_340, %dma_wait3A_341] : memref<4096x50x128xf32, #tpu.memory_space<hbm>> -> memref<1x50x128xf32, #tpu.memory_space<hbm>>
    %dma_wait3A_343 = tpu.memref_squeeze %dma_wait3A_342 : memref<1x50x128xf32, #tpu.memory_space<hbm>> -> memref<50x128xf32, #tpu.memory_space<hbm>>
    %dma_wait3A_344 = arith.constant 0 : i32
    %dma_wait3A_345 = arith.constant 0 : i32
    %dma_wait3A_346 = tpu.memref_slice %arg7[%dma_wait3A_344, %dma_wait3A_345] : memref<400x128xf32, #tpu.memory_space<vmem>> -> memref<50x128xf32, #tpu.memory_space<vmem>>
    tpu.wait_dma2 semaphore(%arg14 : memref<!tpu.dma_semaphore, #tpu.memory_space<semaphore_mem>>) src(%dma_wait3A_346 : memref<50x128xf32, #tpu.memory_space<vmem>>) dst(%dma_wait3A_343 : memref<50x128xf32, #tpu.memory_space<hbm>>)
    %dma_wait3A_347 = arith.constant 0 : i32
    %dma_wait3A_348 = arith.constant 0 : i32
    %dma_wait3A_349 = arith.constant 0 : i32
    %dma_wait3A_350 = tpu.memref_slice %arg7[%dma_wait3A_348, %dma_wait3A_349] : memref<400x128xf32, #tpu.memory_space<vmem>> -> memref<50x128xf32, #tpu.memory_space<vmem>>
    %dma_wait3A_351 = arith.constant 0 : i32
    %dma_wait3A_352 = arith.constant 0 : i32
    %dma_wait3A_353 = tpu.memref_slice %arg4[%dma_wait3A_347, %dma_wait3A_351, %dma_wait3A_352] : memref<4096x50x128xf32, #tpu.memory_space<hbm>> -> memref<1x50x128xf32, #tpu.memory_space<hbm>>
    %dma_wait3A_354 = tpu.memref_squeeze %dma_wait3A_353 : memref<1x50x128xf32, #tpu.memory_space<hbm>> -> memref<50x128xf32, #tpu.memory_space<hbm>>
    %dma_wait3A_355 = arith.constant 0 : i32
    %dma_wait3A_356 = arith.constant 0 : i32
    %dma_wait3A_357 = tpu.memref_slice %arg4[%dma_wait3A_347, %dma_wait3A_355, %dma_wait3A_356] : memref<4096x50x128xf32, #tpu.memory_space<hbm>> -> memref<1x50x128xf32, #tpu.memory_space<hbm>>
    %dma_wait3A_358 = tpu.memref_squeeze %dma_wait3A_357 : memref<1x50x128xf32, #tpu.memory_space<hbm>> -> memref<50x128xf32, #tpu.memory_space<hbm>>
    %dma_wait3A_359 = arith.constant 0 : i32
    %dma_wait3A_360 = arith.constant 0 : i32
    %dma_wait3A_361 = tpu.memref_slice %arg7[%dma_wait3A_359, %dma_wait3A_360] : memref<400x128xf32, #tpu.memory_space<vmem>> -> memref<50x128xf32, #tpu.memory_space<vmem>>
    tpu.wait_dma2 semaphore(%arg14 : memref<!tpu.dma_semaphore, #tpu.memory_space<semaphore_mem>>) src(%dma_wait3A_361 : memref<50x128xf32, #tpu.memory_space<vmem>>) dst(%dma_wait3A_358 : memref<50x128xf32, #tpu.memory_space<hbm>>)
    %dma_wait3A_362 = arith.constant 0 : i32
    %dma_wait3A_363 = arith.constant 0 : i32
    %dma_wait3A_364 = arith.constant 0 : i32
    %dma_wait3A_365 = tpu.memref_slice %arg7[%dma_wait3A_363, %dma_wait3A_364] : memref<400x128xf32, #tpu.memory_space<vmem>> -> memref<50x128xf32, #tpu.memory_space<vmem>>
    %dma_wait3A_366 = arith.constant 0 : i32
    %dma_wait3A_367 = arith.constant 0 : i32
    %dma_wait3A_368 = tpu.memref_slice %arg4[%dma_wait3A_362, %dma_wait3A_366, %dma_wait3A_367] : memref<4096x50x128xf32, #tpu.memory_space<hbm>> -> memref<1x50x128xf32, #tpu.memory_space<hbm>>
    %dma_wait3A_369 = tpu.memref_squeeze %dma_wait3A_368 : memref<1x50x128xf32, #tpu.memory_space<hbm>> -> memref<50x128xf32, #tpu.memory_space<hbm>>
    %dma_wait3A_370 = arith.constant 0 : i32
    %dma_wait3A_371 = arith.constant 0 : i32
    %dma_wait3A_372 = tpu.memref_slice %arg4[%dma_wait3A_362, %dma_wait3A_370, %dma_wait3A_371] : memref<4096x50x128xf32, #tpu.memory_space<hbm>> -> memref<1x50x128xf32, #tpu.memory_space<hbm>>
    %dma_wait3A_373 = tpu.memref_squeeze %dma_wait3A_372 : memref<1x50x128xf32, #tpu.memory_space<hbm>> -> memref<50x128xf32, #tpu.memory_space<hbm>>
    %dma_wait3A_374 = arith.constant 0 : i32
    %dma_wait3A_375 = arith.constant 0 : i32
    %dma_wait3A_376 = tpu.memref_slice %arg7[%dma_wait3A_374, %dma_wait3A_375] : memref<400x128xf32, #tpu.memory_space<vmem>> -> memref<50x128xf32, #tpu.memory_space<vmem>>
    tpu.wait_dma2 semaphore(%arg14 : memref<!tpu.dma_semaphore, #tpu.memory_space<semaphore_mem>>) src(%dma_wait3A_376 : memref<50x128xf32, #tpu.memory_space<vmem>>) dst(%dma_wait3A_373 : memref<50x128xf32, #tpu.memory_space<hbm>>)
    %dma_wait3A_377 = arith.constant 0 : i32
    %dma_wait3A_378 = arith.constant 0 : i32
    %dma_wait3A_379 = arith.constant 0 : i32
    %dma_wait3A_380 = tpu.memref_slice %arg7[%dma_wait3A_378, %dma_wait3A_379] : memref<400x128xf32, #tpu.memory_space<vmem>> -> memref<50x128xf32, #tpu.memory_space<vmem>>
    %dma_wait3A_381 = arith.constant 0 : i32
    %dma_wait3A_382 = arith.constant 0 : i32
    %dma_wait3A_383 = tpu.memref_slice %arg4[%dma_wait3A_377, %dma_wait3A_381, %dma_wait3A_382] : memref<4096x50x128xf32, #tpu.memory_space<hbm>> -> memref<1x50x128xf32, #tpu.memory_space<hbm>>
    %dma_wait3A_384 = tpu.memref_squeeze %dma_wait3A_383 : memref<1x50x128xf32, #tpu.memory_space<hbm>> -> memref<50x128xf32, #tpu.memory_space<hbm>>
    %dma_wait3A_385 = arith.constant 0 : i32
    %dma_wait3A_386 = arith.constant 0 : i32
    %dma_wait3A_387 = tpu.memref_slice %arg4[%dma_wait3A_377, %dma_wait3A_385, %dma_wait3A_386] : memref<4096x50x128xf32, #tpu.memory_space<hbm>> -> memref<1x50x128xf32, #tpu.memory_space<hbm>>
    %dma_wait3A_388 = tpu.memref_squeeze %dma_wait3A_387 : memref<1x50x128xf32, #tpu.memory_space<hbm>> -> memref<50x128xf32, #tpu.memory_space<hbm>>
    %dma_wait3A_389 = arith.constant 0 : i32
    %dma_wait3A_390 = arith.constant 0 : i32
    %dma_wait3A_391 = tpu.memref_slice %arg7[%dma_wait3A_389, %dma_wait3A_390] : memref<400x128xf32, #tpu.memory_space<vmem>> -> memref<50x128xf32, #tpu.memory_space<vmem>>
    tpu.wait_dma2 semaphore(%arg14 : memref<!tpu.dma_semaphore, #tpu.memory_space<semaphore_mem>>) src(%dma_wait3A_391 : memref<50x128xf32, #tpu.memory_space<vmem>>) dst(%dma_wait3A_388 : memref<50x128xf32, #tpu.memory_space<hbm>>)
    %dma_wait3A_392 = arith.constant 0 : i32
    %dma_wait3A_393 = arith.constant 0 : i32
    %dma_wait3A_394 = arith.constant 0 : i32
    %dma_wait3A_395 = tpu.memref_slice %arg7[%dma_wait3A_393, %dma_wait3A_394] : memref<400x128xf32, #tpu.memory_space<vmem>> -> memref<50x128xf32, #tpu.memory_space<vmem>>
    %dma_wait3A_396 = arith.constant 0 : i32
    %dma_wait3A_397 = arith.constant 0 : i32
    %dma_wait3A_398 = tpu.memref_slice %arg4[%dma_wait3A_392, %dma_wait3A_396, %dma_wait3A_397] : memref<4096x50x128xf32, #tpu.memory_space<hbm>> -> memref<1x50x128xf32, #tpu.memory_space<hbm>>
    %dma_wait3A_399 = tpu.memref_squeeze %dma_wait3A_398 : memref<1x50x128xf32, #tpu.memory_space<hbm>> -> memref<50x128xf32, #tpu.memory_space<hbm>>
    %dma_wait3A_400 = arith.constant 0 : i32
    %dma_wait3A_401 = arith.constant 0 : i32
    %dma_wait3A_402 = tpu.memref_slice %arg4[%dma_wait3A_392, %dma_wait3A_400, %dma_wait3A_401] : memref<4096x50x128xf32, #tpu.memory_space<hbm>> -> memref<1x50x128xf32, #tpu.memory_space<hbm>>
    %dma_wait3A_403 = tpu.memref_squeeze %dma_wait3A_402 : memref<1x50x128xf32, #tpu.memory_space<hbm>> -> memref<50x128xf32, #tpu.memory_space<hbm>>
    %dma_wait3A_404 = arith.constant 0 : i32
    %dma_wait3A_405 = arith.constant 0 : i32
    %dma_wait3A_406 = tpu.memref_slice %arg7[%dma_wait3A_404, %dma_wait3A_405] : memref<400x128xf32, #tpu.memory_space<vmem>> -> memref<50x128xf32, #tpu.memory_space<vmem>>
    tpu.wait_dma2 semaphore(%arg14 : memref<!tpu.dma_semaphore, #tpu.memory_space<semaphore_mem>>) src(%dma_wait3A_406 : memref<50x128xf32, #tpu.memory_space<vmem>>) dst(%dma_wait3A_403 : memref<50x128xf32, #tpu.memory_space<hbm>>)
    %dma_wait3A_407 = arith.constant 0 : i32
    %dma_wait3A_408 = arith.constant 0 : i32
    %dma_wait3A_409 = arith.constant 0 : i32
    %dma_wait3A_410 = tpu.memref_slice %arg7[%dma_wait3A_408, %dma_wait3A_409] : memref<400x128xf32, #tpu.memory_space<vmem>> -> memref<50x128xf32, #tpu.memory_space<vmem>>
    %dma_wait3A_411 = arith.constant 0 : i32
    %dma_wait3A_412 = arith.constant 0 : i32
    %dma_wait3A_413 = tpu.memref_slice %arg4[%dma_wait3A_407, %dma_wait3A_411, %dma_wait3A_412] : memref<4096x50x128xf32, #tpu.memory_space<hbm>> -> memref<1x50x128xf32, #tpu.memory_space<hbm>>
    %dma_wait3A_414 = tpu.memref_squeeze %dma_wait3A_413 : memref<1x50x128xf32, #tpu.memory_space<hbm>> -> memref<50x128xf32, #tpu.memory_space<hbm>>
    %dma_wait3A_415 = arith.constant 0 : i32
    %dma_wait3A_416 = arith.constant 0 : i32
    %dma_wait3A_417 = tpu.memref_slice %arg4[%dma_wait3A_407, %dma_wait3A_415, %dma_wait3A_416] : memref<4096x50x128xf32, #tpu.memory_space<hbm>> -> memref<1x50x128xf32, #tpu.memory_space<hbm>>
    %dma_wait3A_418 = tpu.memref_squeeze %dma_wait3A_417 : memref<1x50x128xf32, #tpu.memory_space<hbm>> -> memref<50x128xf32, #tpu.memory_space<hbm>>
    %dma_wait3A_419 = arith.constant 0 : i32
    %dma_wait3A_420 = arith.constant 0 : i32
    %dma_wait3A_421 = tpu.memref_slice %arg7[%dma_wait3A_419, %dma_wait3A_420] : memref<400x128xf32, #tpu.memory_space<vmem>> -> memref<50x128xf32, #tpu.memory_space<vmem>>
    tpu.wait_dma2 semaphore(%arg14 : memref<!tpu.dma_semaphore, #tpu.memory_space<semaphore_mem>>) src(%dma_wait3A_421 : memref<50x128xf32, #tpu.memory_space<vmem>>) dst(%dma_wait3A_418 : memref<50x128xf32, #tpu.memory_space<hbm>>)
    %dma_wait3A_422 = arith.constant 0 : i32
    %dma_wait3A_423 = arith.constant 0 : i32
    %dma_wait3A_424 = arith.constant 0 : i32
    %dma_wait3A_425 = tpu.memref_slice %arg7[%dma_wait3A_423, %dma_wait3A_424] : memref<400x128xf32, #tpu.memory_space<vmem>> -> memref<50x128xf32, #tpu.memory_space<vmem>>
    %dma_wait3A_426 = arith.constant 0 : i32
    %dma_wait3A_427 = arith.constant 0 : i32
    %dma_wait3A_428 = tpu.memref_slice %arg4[%dma_wait3A_422, %dma_wait3A_426, %dma_wait3A_427] : memref<4096x50x128xf32, #tpu.memory_space<hbm>> -> memref<1x50x128xf32, #tpu.memory_space<hbm>>
    %dma_wait3A_429 = tpu.memref_squeeze %dma_wait3A_428 : memref<1x50x128xf32, #tpu.memory_space<hbm>> -> memref<50x128xf32, #tpu.memory_space<hbm>>
    %dma_wait3A_430 = arith.constant 0 : i32
    %dma_wait3A_431 = arith.constant 0 : i32
    %dma_wait3A_432 = tpu.memref_slice %arg4[%dma_wait3A_422, %dma_wait3A_430, %dma_wait3A_431] : memref<4096x50x128xf32, #tpu.memory_space<hbm>> -> memref<1x50x128xf32, #tpu.memory_space<hbm>>
    %dma_wait3A_433 = tpu.memref_squeeze %dma_wait3A_432 : memref<1x50x128xf32, #tpu.memory_space<hbm>> -> memref<50x128xf32, #tpu.memory_space<hbm>>
    %dma_wait3A_434 = arith.constant 0 : i32
    %dma_wait3A_435 = arith.constant 0 : i32
    %dma_wait3A_436 = tpu.memref_slice %arg7[%dma_wait3A_434, %dma_wait3A_435] : memref<400x128xf32, #tpu.memory_space<vmem>> -> memref<50x128xf32, #tpu.memory_space<vmem>>
    tpu.wait_dma2 semaphore(%arg14 : memref<!tpu.dma_semaphore, #tpu.memory_space<semaphore_mem>>) src(%dma_wait3A_436 : memref<50x128xf32, #tpu.memory_space<vmem>>) dst(%dma_wait3A_433 : memref<50x128xf32, #tpu.memory_space<hbm>>)
    %dma_wait3A_437 = arith.constant 0 : i32
    %dma_wait3A_438 = arith.constant 0 : i32
    %dma_wait3A_439 = arith.constant 0 : i32
    %dma_wait3A_440 = tpu.memref_slice %arg8[%dma_wait3A_438, %dma_wait3A_439] : memref<400x128xf32, #tpu.memory_space<vmem>> -> memref<50x128xf32, #tpu.memory_space<vmem>>
    %dma_wait3A_441 = arith.constant 0 : i32
    %dma_wait3A_442 = arith.constant 0 : i32
    %dma_wait3A_443 = tpu.memref_slice %arg4[%dma_wait3A_437, %dma_wait3A_441, %dma_wait3A_442] : memref<4096x50x128xf32, #tpu.memory_space<hbm>> -> memref<1x50x128xf32, #tpu.memory_space<hbm>>
    %dma_wait3A_444 = tpu.memref_squeeze %dma_wait3A_443 : memref<1x50x128xf32, #tpu.memory_space<hbm>> -> memref<50x128xf32, #tpu.memory_space<hbm>>
    %dma_wait3A_445 = arith.constant 0 : i32
    %dma_wait3A_446 = arith.constant 0 : i32
    %dma_wait3A_447 = tpu.memref_slice %arg4[%dma_wait3A_437, %dma_wait3A_445, %dma_wait3A_446] : memref<4096x50x128xf32, #tpu.memory_space<hbm>> -> memref<1x50x128xf32, #tpu.memory_space<hbm>>
    %dma_wait3A_448 = tpu.memref_squeeze %dma_wait3A_447 : memref<1x50x128xf32, #tpu.memory_space<hbm>> -> memref<50x128xf32, #tpu.memory_space<hbm>>
    %dma_wait3A_449 = arith.constant 0 : i32
    %dma_wait3A_450 = arith.constant 0 : i32
    %dma_wait3A_451 = tpu.memref_slice %arg8[%dma_wait3A_449, %dma_wait3A_450] : memref<400x128xf32, #tpu.memory_space<vmem>> -> memref<50x128xf32, #tpu.memory_space<vmem>>
    tpu.wait_dma2 semaphore(%arg15 : memref<!tpu.dma_semaphore, #tpu.memory_space<semaphore_mem>>) src(%dma_wait3A_451 : memref<50x128xf32, #tpu.memory_space<vmem>>) dst(%dma_wait3A_448 : memref<50x128xf32, #tpu.memory_space<hbm>>)
    %dma_wait3A_452 = arith.constant 0 : i32
    %dma_wait3A_453 = arith.constant 0 : i32
    %dma_wait3A_454 = arith.constant 0 : i32
    %dma_wait3A_455 = tpu.memref_slice %arg8[%dma_wait3A_453, %dma_wait3A_454] : memref<400x128xf32, #tpu.memory_space<vmem>> -> memref<50x128xf32, #tpu.memory_space<vmem>>
    %dma_wait3A_456 = arith.constant 0 : i32
    %dma_wait3A_457 = arith.constant 0 : i32
    %dma_wait3A_458 = tpu.memref_slice %arg4[%dma_wait3A_452, %dma_wait3A_456, %dma_wait3A_457] : memref<4096x50x128xf32, #tpu.memory_space<hbm>> -> memref<1x50x128xf32, #tpu.memory_space<hbm>>
    %dma_wait3A_459 = tpu.memref_squeeze %dma_wait3A_458 : memref<1x50x128xf32, #tpu.memory_space<hbm>> -> memref<50x128xf32, #tpu.memory_space<hbm>>
    %dma_wait3A_460 = arith.constant 0 : i32
    %dma_wait3A_461 = arith.constant 0 : i32
    %dma_wait3A_462 = tpu.memref_slice %arg4[%dma_wait3A_452, %dma_wait3A_460, %dma_wait3A_461] : memref<4096x50x128xf32, #tpu.memory_space<hbm>> -> memref<1x50x128xf32, #tpu.memory_space<hbm>>
    %dma_wait3A_463 = tpu.memref_squeeze %dma_wait3A_462 : memref<1x50x128xf32, #tpu.memory_space<hbm>> -> memref<50x128xf32, #tpu.memory_space<hbm>>
    %dma_wait3A_464 = arith.constant 0 : i32
    %dma_wait3A_465 = arith.constant 0 : i32
    %dma_wait3A_466 = tpu.memref_slice %arg8[%dma_wait3A_464, %dma_wait3A_465] : memref<400x128xf32, #tpu.memory_space<vmem>> -> memref<50x128xf32, #tpu.memory_space<vmem>>
    tpu.wait_dma2 semaphore(%arg15 : memref<!tpu.dma_semaphore, #tpu.memory_space<semaphore_mem>>) src(%dma_wait3A_466 : memref<50x128xf32, #tpu.memory_space<vmem>>) dst(%dma_wait3A_463 : memref<50x128xf32, #tpu.memory_space<hbm>>)
    %dma_wait3A_467 = arith.constant 0 : i32
    %dma_wait3A_468 = arith.constant 0 : i32
    %dma_wait3A_469 = arith.constant 0 : i32
    %dma_wait3A_470 = tpu.memref_slice %arg8[%dma_wait3A_468, %dma_wait3A_469] : memref<400x128xf32, #tpu.memory_space<vmem>> -> memref<50x128xf32, #tpu.memory_space<vmem>>
    %dma_wait3A_471 = arith.constant 0 : i32
    %dma_wait3A_472 = arith.constant 0 : i32
    %dma_wait3A_473 = tpu.memref_slice %arg4[%dma_wait3A_467, %dma_wait3A_471, %dma_wait3A_472] : memref<4096x50x128xf32, #tpu.memory_space<hbm>> -> memref<1x50x128xf32, #tpu.memory_space<hbm>>
    %dma_wait3A_474 = tpu.memref_squeeze %dma_wait3A_473 : memref<1x50x128xf32, #tpu.memory_space<hbm>> -> memref<50x128xf32, #tpu.memory_space<hbm>>
    %dma_wait3A_475 = arith.constant 0 : i32
    %dma_wait3A_476 = arith.constant 0 : i32
    %dma_wait3A_477 = tpu.memref_slice %arg4[%dma_wait3A_467, %dma_wait3A_475, %dma_wait3A_476] : memref<4096x50x128xf32, #tpu.memory_space<hbm>> -> memref<1x50x128xf32, #tpu.memory_space<hbm>>
    %dma_wait3A_478 = tpu.memref_squeeze %dma_wait3A_477 : memref<1x50x128xf32, #tpu.memory_space<hbm>> -> memref<50x128xf32, #tpu.memory_space<hbm>>
    %dma_wait3A_479 = arith.constant 0 : i32
    %dma_wait3A_480 = arith.constant 0 : i32
    %dma_wait3A_481 = tpu.memref_slice %arg8[%dma_wait3A_479, %dma_wait3A_480] : memref<400x128xf32, #tpu.memory_space<vmem>> -> memref<50x128xf32, #tpu.memory_space<vmem>>
    tpu.wait_dma2 semaphore(%arg15 : memref<!tpu.dma_semaphore, #tpu.memory_space<semaphore_mem>>) src(%dma_wait3A_481 : memref<50x128xf32, #tpu.memory_space<vmem>>) dst(%dma_wait3A_478 : memref<50x128xf32, #tpu.memory_space<hbm>>)
    %dma_wait3A_482 = arith.constant 0 : i32
    %dma_wait3A_483 = arith.constant 0 : i32
    %dma_wait3A_484 = arith.constant 0 : i32
    %dma_wait3A_485 = tpu.memref_slice %arg8[%dma_wait3A_483, %dma_wait3A_484] : memref<400x128xf32, #tpu.memory_space<vmem>> -> memref<50x128xf32, #tpu.memory_space<vmem>>
    %dma_wait3A_486 = arith.constant 0 : i32
    %dma_wait3A_487 = arith.constant 0 : i32
    %dma_wait3A_488 = tpu.memref_slice %arg4[%dma_wait3A_482, %dma_wait3A_486, %dma_wait3A_487] : memref<4096x50x128xf32, #tpu.memory_space<hbm>> -> memref<1x50x128xf32, #tpu.memory_space<hbm>>
    %dma_wait3A_489 = tpu.memref_squeeze %dma_wait3A_488 : memref<1x50x128xf32, #tpu.memory_space<hbm>> -> memref<50x128xf32, #tpu.memory_space<hbm>>
    %dma_wait3A_490 = arith.constant 0 : i32
    %dma_wait3A_491 = arith.constant 0 : i32
    %dma_wait3A_492 = tpu.memref_slice %arg4[%dma_wait3A_482, %dma_wait3A_490, %dma_wait3A_491] : memref<4096x50x128xf32, #tpu.memory_space<hbm>> -> memref<1x50x128xf32, #tpu.memory_space<hbm>>
    %dma_wait3A_493 = tpu.memref_squeeze %dma_wait3A_492 : memref<1x50x128xf32, #tpu.memory_space<hbm>> -> memref<50x128xf32, #tpu.memory_space<hbm>>
    %dma_wait3A_494 = arith.constant 0 : i32
    %dma_wait3A_495 = arith.constant 0 : i32
    %dma_wait3A_496 = tpu.memref_slice %arg8[%dma_wait3A_494, %dma_wait3A_495] : memref<400x128xf32, #tpu.memory_space<vmem>> -> memref<50x128xf32, #tpu.memory_space<vmem>>
    tpu.wait_dma2 semaphore(%arg15 : memref<!tpu.dma_semaphore, #tpu.memory_space<semaphore_mem>>) src(%dma_wait3A_496 : memref<50x128xf32, #tpu.memory_space<vmem>>) dst(%dma_wait3A_493 : memref<50x128xf32, #tpu.memory_space<hbm>>)
    %dma_wait3A_497 = arith.constant 0 : i32
    %dma_wait3A_498 = arith.constant 0 : i32
    %dma_wait3A_499 = arith.constant 0 : i32
    %dma_wait3A_500 = tpu.memref_slice %arg8[%dma_wait3A_498, %dma_wait3A_499] : memref<400x128xf32, #tpu.memory_space<vmem>> -> memref<50x128xf32, #tpu.memory_space<vmem>>
    %dma_wait3A_501 = arith.constant 0 : i32
    %dma_wait3A_502 = arith.constant 0 : i32
    %dma_wait3A_503 = tpu.memref_slice %arg4[%dma_wait3A_497, %dma_wait3A_501, %dma_wait3A_502] : memref<4096x50x128xf32, #tpu.memory_space<hbm>> -> memref<1x50x128xf32, #tpu.memory_space<hbm>>
    %dma_wait3A_504 = tpu.memref_squeeze %dma_wait3A_503 : memref<1x50x128xf32, #tpu.memory_space<hbm>> -> memref<50x128xf32, #tpu.memory_space<hbm>>
    %dma_wait3A_505 = arith.constant 0 : i32
    %dma_wait3A_506 = arith.constant 0 : i32
    %dma_wait3A_507 = tpu.memref_slice %arg4[%dma_wait3A_497, %dma_wait3A_505, %dma_wait3A_506] : memref<4096x50x128xf32, #tpu.memory_space<hbm>> -> memref<1x50x128xf32, #tpu.memory_space<hbm>>
    %dma_wait3A_508 = tpu.memref_squeeze %dma_wait3A_507 : memref<1x50x128xf32, #tpu.memory_space<hbm>> -> memref<50x128xf32, #tpu.memory_space<hbm>>
    %dma_wait3A_509 = arith.constant 0 : i32
    %dma_wait3A_510 = arith.constant 0 : i32
    %dma_wait3A_511 = tpu.memref_slice %arg8[%dma_wait3A_509, %dma_wait3A_510] : memref<400x128xf32, #tpu.memory_space<vmem>> -> memref<50x128xf32, #tpu.memory_space<vmem>>
    tpu.wait_dma2 semaphore(%arg15 : memref<!tpu.dma_semaphore, #tpu.memory_space<semaphore_mem>>) src(%dma_wait3A_511 : memref<50x128xf32, #tpu.memory_space<vmem>>) dst(%dma_wait3A_508 : memref<50x128xf32, #tpu.memory_space<hbm>>)
    %dma_wait3A_512 = arith.constant 0 : i32
    %dma_wait3A_513 = arith.constant 0 : i32
    %dma_wait3A_514 = arith.constant 0 : i32
    %dma_wait3A_515 = tpu.memref_slice %arg8[%dma_wait3A_513, %dma_wait3A_514] : memref<400x128xf32, #tpu.memory_space<vmem>> -> memref<50x128xf32, #tpu.memory_space<vmem>>
    %dma_wait3A_516 = arith.constant 0 : i32
    %dma_wait3A_517 = arith.constant 0 : i32
    %dma_wait3A_518 = tpu.memref_slice %arg4[%dma_wait3A_512, %dma_wait3A_516, %dma_wait3A_517] : memref<4096x50x128xf32, #tpu.memory_space<hbm>> -> memref<1x50x128xf32, #tpu.memory_space<hbm>>
    %dma_wait3A_519 = tpu.memref_squeeze %dma_wait3A_518 : memref<1x50x128xf32, #tpu.memory_space<hbm>> -> memref<50x128xf32, #tpu.memory_space<hbm>>
    %dma_wait3A_520 = arith.constant 0 : i32
    %dma_wait3A_521 = arith.constant 0 : i32
    %dma_wait3A_522 = tpu.memref_slice %arg4[%dma_wait3A_512, %dma_wait3A_520, %dma_wait3A_521] : memref<4096x50x128xf32, #tpu.memory_space<hbm>> -> memref<1x50x128xf32, #tpu.memory_space<hbm>>
    %dma_wait3A_523 = tpu.memref_squeeze %dma_wait3A_522 : memref<1x50x128xf32, #tpu.memory_space<hbm>> -> memref<50x128xf32, #tpu.memory_space<hbm>>
    %dma_wait3A_524 = arith.constant 0 : i32
    %dma_wait3A_525 = arith.constant 0 : i32
    %dma_wait3A_526 = tpu.memref_slice %arg8[%dma_wait3A_524, %dma_wait3A_525] : memref<400x128xf32, #tpu.memory_space<vmem>> -> memref<50x128xf32, #tpu.memory_space<vmem>>
    tpu.wait_dma2 semaphore(%arg15 : memref<!tpu.dma_semaphore, #tpu.memory_space<semaphore_mem>>) src(%dma_wait3A_526 : memref<50x128xf32, #tpu.memory_space<vmem>>) dst(%dma_wait3A_523 : memref<50x128xf32, #tpu.memory_space<hbm>>)
    %dma_wait3A_527 = arith.constant 0 : i32
    %dma_wait3A_528 = arith.constant 0 : i32
    %dma_wait3A_529 = arith.constant 0 : i32
    %dma_wait3A_530 = tpu.memref_slice %arg8[%dma_wait3A_528, %dma_wait3A_529] : memref<400x128xf32, #tpu.memory_space<vmem>> -> memref<50x128xf32, #tpu.memory_space<vmem>>
    %dma_wait3A_531 = arith.constant 0 : i32
    %dma_wait3A_532 = arith.constant 0 : i32
    %dma_wait3A_533 = tpu.memref_slice %arg4[%dma_wait3A_527, %dma_wait3A_531, %dma_wait3A_532] : memref<4096x50x128xf32, #tpu.memory_space<hbm>> -> memref<1x50x128xf32, #tpu.memory_space<hbm>>
    %dma_wait3A_534 = tpu.memref_squeeze %dma_wait3A_533 : memref<1x50x128xf32, #tpu.memory_space<hbm>> -> memref<50x128xf32, #tpu.memory_space<hbm>>
    %dma_wait3A_535 = arith.constant 0 : i32
    %dma_wait3A_536 = arith.constant 0 : i32
    %dma_wait3A_537 = tpu.memref_slice %arg4[%dma_wait3A_527, %dma_wait3A_535, %dma_wait3A_536] : memref<4096x50x128xf32, #tpu.memory_space<hbm>> -> memref<1x50x128xf32, #tpu.memory_space<hbm>>
    %dma_wait3A_538 = tpu.memref_squeeze %dma_wait3A_537 : memref<1x50x128xf32, #tpu.memory_space<hbm>> -> memref<50x128xf32, #tpu.memory_space<hbm>>
    %dma_wait3A_539 = arith.constant 0 : i32
    %dma_wait3A_540 = arith.constant 0 : i32
    %dma_wait3A_541 = tpu.memref_slice %arg8[%dma_wait3A_539, %dma_wait3A_540] : memref<400x128xf32, #tpu.memory_space<vmem>> -> memref<50x128xf32, #tpu.memory_space<vmem>>
    tpu.wait_dma2 semaphore(%arg15 : memref<!tpu.dma_semaphore, #tpu.memory_space<semaphore_mem>>) src(%dma_wait3A_541 : memref<50x128xf32, #tpu.memory_space<vmem>>) dst(%dma_wait3A_538 : memref<50x128xf32, #tpu.memory_space<hbm>>)
    %dma_wait3A_542 = arith.constant 0 : i32
    %dma_wait3A_543 = arith.constant 0 : i32
    %dma_wait3A_544 = arith.constant 0 : i32
    %dma_wait3A_545 = tpu.memref_slice %arg8[%dma_wait3A_543, %dma_wait3A_544] : memref<400x128xf32, #tpu.memory_space<vmem>> -> memref<50x128xf32, #tpu.memory_space<vmem>>
    %dma_wait3A_546 = arith.constant 0 : i32
    %dma_wait3A_547 = arith.constant 0 : i32
    %dma_wait3A_548 = tpu.memref_slice %arg4[%dma_wait3A_542, %dma_wait3A_546, %dma_wait3A_547] : memref<4096x50x128xf32, #tpu.memory_space<hbm>> -> memref<1x50x128xf32, #tpu.memory_space<hbm>>
    %dma_wait3A_549 = tpu.memref_squeeze %dma_wait3A_548 : memref<1x50x128xf32, #tpu.memory_space<hbm>> -> memref<50x128xf32, #tpu.memory_space<hbm>>
    %dma_wait3A_550 = arith.constant 0 : i32
    %dma_wait3A_551 = arith.constant 0 : i32
    %dma_wait3A_552 = tpu.memref_slice %arg4[%dma_wait3A_542, %dma_wait3A_550, %dma_wait3A_551] : memref<4096x50x128xf32, #tpu.memory_space<hbm>> -> memref<1x50x128xf32, #tpu.memory_space<hbm>>
    %dma_wait3A_553 = tpu.memref_squeeze %dma_wait3A_552 : memref<1x50x128xf32, #tpu.memory_space<hbm>> -> memref<50x128xf32, #tpu.memory_space<hbm>>
    %dma_wait3A_554 = arith.constant 0 : i32
    %dma_wait3A_555 = arith.constant 0 : i32
    %dma_wait3A_556 = tpu.memref_slice %arg8[%dma_wait3A_554, %dma_wait3A_555] : memref<400x128xf32, #tpu.memory_space<vmem>> -> memref<50x128xf32, #tpu.memory_space<vmem>>
    tpu.wait_dma2 semaphore(%arg15 : memref<!tpu.dma_semaphore, #tpu.memory_space<semaphore_mem>>) src(%dma_wait3A_556 : memref<50x128xf32, #tpu.memory_space<vmem>>) dst(%dma_wait3A_553 : memref<50x128xf32, #tpu.memory_space<hbm>>)
    %dma_wait3A_557 = arith.constant 0 : i32
    %dma_wait3A_558 = tpu.memref_slice %arg3[%dma_wait3A_557] : memref<204800xi32, #tpu.memory_space<hbm>> -> memref<400xi32, #tpu.memory_space<hbm>>
    %dma_wait3A_559 = arith.constant 0 : i32
    %dma_wait3A_560 = tpu.memref_slice %arg3[%dma_wait3A_559] : memref<204800xi32, #tpu.memory_space<hbm>> -> memref<400xi32, #tpu.memory_space<hbm>>
    tpu.wait_dma2 semaphore(%arg10 : memref<!tpu.dma_semaphore, #tpu.memory_space<semaphore_mem>>) src(%dma_wait3A_560 : memref<400xi32, #tpu.memory_space<hbm>>) dst(%arg5 : memref<400xi32, #tpu.memory_space<vmem>>)
    return
  }
}

</mosaic_0001>

<sc_bundles>
// kernel: kernel.3.cloned.1.call-start
scs
__scs_entry_jumppad:
0x0: {  	(pc) =	sbr.rel $0x88, $3  }
0x1: {  	(tag) =	ssettag $0x0;
	lr =	simm.s32 $0x1  }
0x2: {  	[smem:$0x3F9F] =	sst lr;
	_ =	strace $0xD0000000  }
0x3: {  	_ = 	snop  }
0x4: {  	_ = 	snop  }
0x5: {  	_ = 	snop  }
0x6: {  	_ = 	snop  }
0x7: {  	_ = 	snop  }
__scs_overlays_trampoline_lowered:
0x8: {  	[smem:$0x3FAE] =	sst s0  }
0x9: {  	[smem:$0x3FAF] =	sst s1  }
0xa: {  	[smem:$0x3FB0] =	sst s2  }
0xb: {  	[smem:$0x3FB1] =	sst s3  }
0xc: {  	[smem:$0x3FB2] =	sst s4  }
0xd: {  	[smem:$0x3FB3] =	sst s5  }
0xe: {  	[smem:$0x3FB4] =	sst s6  }
0xf: {  	[smem:$0x3FB5] =	sst s7  }
0x10: {  	[smem:$0x3FB6] =	sst s8  }
0x11: {  	[smem:$0x3FB7] =	sst s9;
	s0 =	simm.s32 @!p0 $0x0  }
0x12: {  	s1 =	sld [smem:$0x3F9D];
	s0 =	simm.s32 @p0 $0x1  }
0x13: {  	[smem:$0x3FB8] =	sst s0;
	s0 =	simm.s32 @!p1 $0x0  }
0x14: {  	s2 =	sld [smem:$0x3F9C];
	s0 =	simm.s32 @p1 $0x1  }
0x15: {  	[smem:$0x3FB9] =	sst s0;
	s0 =	simm.s32 @!p2 $0x0  }
0x16: {  	s3 =	sld [smem:$0x3FDB];
	s0 =	simm.s32 @p2 $0x1  }
0x17: {  	s4 =	simm.s32 $0x1BF5;
	[smem:$0x3FBB] =	sst s0  }
0x18: {  	s0 =	sld [smem:$0x3F9E];
	_ =	swait.ge [sflag:s4], $0x0  }
0x19: {  	s7 =	sld [smem:$0x3F9F]  }
0x1a: {  	s8 =	sadd.s32 $0xFFFFE003, lr  }
0x1b: {  	s9 =	sadd.s32 $0xFFFFFEF7, lr;
	s5 =	simm.s32 $0xFFFFFFFF;
	p2 =	slt.u32 s8, $0xFFFFF086  }
0x1c: {  	p1 =	slt.u32 s9, $0xF7A;
	s5 =	simm.s32 @!p2 $0x0  }
0x1d: {  	s5 =	simm.s32 @p1 $0x1;
	p0 =	seq.s32 s7, s2  }
0x1e: {  	s7 =	smul.u32 @!p0 $0xF7A, s2;
	p2 =	seq.s32 @!p0 s5, $0x0  }
0x1f: {  	s9 =	smul.u32 $0xF7A, s1;
	s8 =	simm.s32 @!p0 $0x1BF5;
	p2 =	por !p2, p0  }
0x20: {  	[sflag:s8] =	ssyncset.s32 @!p0 $0xFFFFF086;
	s6 =	sadd.s32 @!p0 s3, s7;
	s7 =	simm.s32 @!p0 $0x108  }
0x21: {  	s3 =	sadd.s32 s3, s9;
	s6 =	sadd.s32 @!p0 $0x88, s6;
	s7 =	simm.s32 @p2 $0x1082  }
0x22: {  	[simem:s7], [sflag:s8] =	dma.local @!p0 [hbm:s6], $0xF7A  }
0x23: {  	s9 =	sor.u32 $0xD0000000, s2;
	s6 =	simm.s32 $0x108;
	_ =	swait.ge @!p0 [sflag:s8], $0x0  }
0x24: {  	s3 =	sadd.s32 $0x88, s3;
	s6 =	simm.s32 @!p1 $0x1082;
	[sflag:s4] =	ssyncset.s32 $0xFFFFF086  }
0x25: {  	[simem:s6], [sflag:s4] =	dma.local [hbm:s3], $0xF7A  }
0x26: {  	[smem:$0x3F9F] =	sst s1;
	(tag) =	ssettag s2;
	_ =	strace s9  }
0x27: {  	s1 =	sld [smem:$0x3FAF]  }
0x28: {  	s2 =	sld [smem:$0x3FB0]  }
0x29: {  	s4 =	sld [smem:$0x3FB2]  }
0x2a: {  	p0 =	seq.s32 s5, $0x0;
	s5 =	sld [smem:$0x3FB3]  }
0x2b: {  	s6 =	sld [smem:$0x3FB4]  }
0x2c: {  	s7 =	sld [smem:$0x3FB5]  }
0x2d: {  	s3 =	simm.s32 $0x108;
	s8 =	sld [smem:$0x3FB6]  }
0x2e: {  	s3 =	simm.s32 @!p0 $0x1082;
	s9 =	sld [smem:$0x3FB7]  }
0x2f: {  	lr =	sadd.s32 s0, s3;
	s0 =	sld [smem:$0x3FAE]  }
0x30: {  	s3 =	sld [smem:$0x3FB1]  }
0x31: {  	[smem:$0x3FBA] =	sst s10  }
0x32: {  	s10 =	sld [smem:$0x3FB8];
	_ =	sdelay $0x3  }
0x33: {  	p0 =	seq.s32 s10, $0x1;
	s10 =	sld [smem:$0x3FBA];
	_ =	sdelay $0x3  }
0x34: {  	[smem:$0x3FBA] =	sst s10  }
0x35: {  	s10 =	sld [smem:$0x3FB9];
	_ =	sdelay $0x3  }
0x36: {  	p1 =	seq.s32 s10, $0x1;
	s10 =	sld [smem:$0x3FBA];
	_ =	sdelay $0x3  }
0x37: {  	[smem:$0x3FBA] =	sst s10  }
0x38: {  	s10 =	sld [smem:$0x3FBB]  }
0x39: {  	_ = 	snop;
	(pc) =	sbr.ind lr, $3  }
0x3a: {  	_ = 	snop  }
0x3b: {  	_ = 	snop  }
0x3c: {  	p2 =	seq.s32 s10, $0x1;
	s10 =	sld [smem:$0x3FBA]  }
0x3d: {  	_ =	shalt  }
0x3e: {  	_ =	shalt  }
0x3f: {  	_ =	shalt  }
0x40: {  	_ =	shalt  }
0x41: {  	_ =	shalt  }
0x42: {  	_ =	shalt  }
0x43: {  	_ =	shalt  }
0x44: {  	_ =	shalt  }
0x45: {  	_ =	shalt  }
0x46: {  	_ =	shalt  }
0x47: {  	_ =	shalt  }
0x48: {  	_ =	shalt  }
0x49: {  	_ =	shalt  }
0x4a: {  	_ =	shalt  }
0x4b: {  	_ =	shalt  }
0x4c: {  	_ =	shalt  }
0x4d: {  	_ =	shalt  }
0x4e: {  	_ =	shalt  }
0x4f: {  	_ =	shalt  }
0x50: {  	_ =	shalt  }
0x51: {  	_ =	shalt  }
0x52: {  	_ =	shalt  }
0x53: {  	_ =	shalt  }
0x54: {  	_ =	shalt  }
0x55: {  	_ =	shalt  }
0x56: {  	_ =	shalt  }
0x57: {  	_ =	shalt  }
0x58: {  	_ =	shalt  }
0x59: {  	_ =	shalt  }
0x5a: {  	_ =	shalt  }
0x5b: {  	_ =	shalt  }
0x5c: {  	_ =	shalt  }
0x5d: {  	_ =	shalt  }
0x5e: {  	_ =	shalt  }
0x5f: {  	_ =	shalt  }
0x60: {  	_ =	shalt  }
0x61: {  	_ =	shalt  }
0x62: {  	_ =	shalt  }
0x63: {  	_ =	shalt  }
0x64: {  	_ =	shalt  }
0x65: {  	_ =	shalt  }
0x66: {  	_ =	shalt  }
0x67: {  	_ =	shalt  }
0x68: {  	_ =	shalt  }
0x69: {  	_ =	shalt  }
0x6a: {  	_ =	shalt  }
0x6b: {  	_ =	shalt  }
0x6c: {  	_ =	shalt  }
0x6d: {  	_ =	shalt  }
0x6e: {  	_ =	shalt  }
0x6f: {  	_ =	shalt  }
0x70: {  	_ =	shalt  }
0x71: {  	_ =	shalt  }
0x72: {  	_ =	shalt  }
0x73: {  	_ =	shalt  }
0x74: {  	_ =	shalt  }
0x75: {  	_ =	shalt  }
0x76: {  	_ =	shalt  }
0x77: {  	_ =	shalt  }
0x78: {  	_ =	shalt  }
0x79: {  	_ =	shalt  }
0x7a: {  	_ =	shalt  }
0x7b: {  	_ =	shalt  }
0x7c: {  	_ =	shalt  }
0x7d: {  	_ =	shalt  }
0x7e: {  	_ =	shalt  }
0x7f: {  	_ =	shalt  }
0x80: {  	_ =	shalt  }
0x81: {  	_ =	shalt  }
0x82: {  	_ =	shalt  }
0x83: {  	_ =	shalt  }
0x84: {  	_ =	shalt  }
0x85: {  	_ =	shalt  }
0x86: {  	_ =	shalt  }
0x87: {  	_ =	shalt  }
.Lfunc_end0:
.L_simem_size_0:
called_computation_lowered:
.L_overlay_start_0:
0x88: {  	s2 =	sld [smem:$0x3FD9]  }
0x89: {  	s3 =	sld [smem:$0x3FFE];
	_ =	sdelay $0x1  }
0x8a: {  	s1 =	srdreg.scid  }
0x8b: {  	s0 =	sand.u32 $0x1, s1  }
0x8c: {  	s17 =	sshll.u32 s0, $0xA;
	s2 =	sadd.s32 s3, s2  }
0x8d: {  	s2 =	sadd.s32 s2, s17  }
0x8e: {  	[smem:$0x3FC6] =	sst s2  }
0x8f: {  	_ = 	snop  }
0x90: {  	s2 =	sld [smem:$0x3FC8]  }
0x91: {  	s18 =	sld [smem:$0x3FD0];
	(tm) =	ssettm $0x1  }
0x92: {  	s4 =	sld [smem:$0x3FFB];
	_ =	sdelay $0x3  }
0x93: {  	_ =	strace s4  }
0x94: {  	s4 =	sld [smem:$0x3FFC];
	_ =	sdelay $0x3  }
0x95: {  	_ =	strace s4  }
0x96: {  	s4 =	sld [smem:$0x3FFD];
	_ =	sdelay $0x3  }
0x97: {  	_ =	strace s4  }
0x98: {  	_ =	strace $0x8FFFFFFF  }
0x99: {  	s19 =	sld [smem:$0x3FDB];
	_ =	sdelay $0x1  }
0x9a: {  	s5 =	simm.s32 $_scs_section_size  }
0x9b: {  	s6 =	simm.s32 $_size__tile_overlayer_lowered;
	s7 =	simm.s32 $_tile_overlayer_lowered  }
0x9c: {  	s22 =	simm.s32 $0x1BFF;
	s21 =	sshll.u32 s7, $0x1;
	s4 =	sadd.s32 s5, s19  }
0x9d: {  	s8 =	simm.s32 $0x0;
	s20 =	sshll.u32 s6, $0x1;
	s6 =	sadd.s32 s21, s4  }
0x9e: {  	[timem:s8], [sflag:s22] =	dma.local [hbm:s6], s20  }
0x9f: {  	_ =	swait.ge [sflag:s22], s20  }
0xa0: {  	s5 =	ssub.s32 $0x0, s20;
	[sflag:s22] =	ssyncset.done $0x0  }
0xa1: {  	[sflag:s22] =	ssyncadd.s32 s5;
	_ =	sdelay $0x1  }
0xa2: {  	s23 =	simm.s32 $0x1B8B  }
0xa3: {  	_ =	swait.ge [sflag:s23], $0x1  }
0xa4: {  	[sflag:s23] =	ssyncset.done $0x0  }
0xa5: {  	s25 =	simm.s32 $0x1B8E;
	s24 =	sld [smem:$0x3FFE];
	[sflag:s23] =	ssyncadd.s32 $0xFFFFFFFF  }
0xa6: {  	s26 =	simm.s32 $execute0_lowered;
	[smem:$0x3FD2] =	sst s25  }
0xa7: {  	s6 =	sshll.u32 s26, $0x1;
	_ =	strace $0x80000046;
	[dreg:$0x1] =	wrdreg $0xFFFFFFFF  }
0xa8: {  	s28 =	simm.s32 $_size_execute0_lowered;
	s4 =	sadd.s32 s4, s6;
	[dreg:$0x0] =	wrdreg $0x0  }
0xa9: {  	s6 =	sshll.u32 s28, $0x1;
	[dreg:$0x2] =	wrdreg s4  }
0xaa: {  	[dreg:$0x3] =	wrdreg s6  }
0xab: {  	[dreg:$0x4] =	wrdreg $0xC0  }
0xac: {  	_ =	task [dreg:s8], $0x5FFFF  }
0xad: {  	[dreg:$0x1] =	wrdreg $0xFFFFFFFF  }
0xae: {  	[dreg:$0x0] =	wrdreg $0x60  }
0xaf: {  	[dreg:$0x2] =	wrdreg s2  }
0xb0: {  	[dreg:$0x3] =	wrdreg s18  }
0xb1: {  	[dreg:$0x4] =	wrdreg s24  }
0xb2: {  	[dreg:$0x5] =	wrdreg $0x194000  }
0xb3: {  	[dreg:$0x6] =	wrdreg $0x9  }
0xb4: {  	_ =	task.clear_ibuf [dreg:s8], $0x7FFFF;
	_ =	strace $0x90000046  }
0xb5: {  	s29 =	simm.s32 $0x9;
	_ =	strace $0x80000048  }
0xb6: {  	_ =	swait.ge [sflag:s29], $0x1  }
0xb7: {  	[sflag:s29] =	ssyncadd.s32 $0xFFFFFFFF  }
0xb8: {  	_ =	strace $0x90000048  }
0xb9: {  	_ =	sfence  }
0xba: {  	s30 =	sld [smem:$0x0];
	_ =	sdelay $0x2  }
0xbb: {  	s31 =	sshll.u32 s1, $0xD;
	s1 =	sshrl.u32 s1, $0x2  }
0xbc: {  	s3 =	sand.u32 $0x4000, s31;
	s1 =	sadd.s32 s1, s30  }
0xbd: {  	s0 =	sor.u32 s3, s0;
	s1 =	sshll.u32 s1, $0x11  }
0xbe: {  	s0 =	sor.u32 s1, s0  }
0xbf: {  	s0 =	sadd.s32 $0x8F2B, s0  }
0xc0: {  	[sflag:s0] =	ssyncadd.remote.s32 $0x1  }
0xc1: {  	_ =	sfence.sel $0xFFFF  }
0xc2: {  	[dreg:$0x0] =	wrdreg $0xFFFFFFFF;
	(pc) =	sbr.abs _section_cstart, $3  }
0xc3: {  	[dreg:$0x1] =	wrdreg $0xFFFFFFFF  }
0xc4: {  	_ =	task.clear_ibuf [dreg:s8], $0x2FFFF;
	_ =	strace $0x9FFFFFFF  }
0xc5: {  	(tm) =	ssettm $0x7FFFFFFF  }
tec
execute0_lowered:
.L_overlay_start_1:
0x0: {  	(tag) =	ssettag $0x1  }
0x1: {  	s12 =	rddreg [dreg:$0x1]  }
0x2: {  	s1 =	rddreg [dreg:$0x2]  }
0x3: {  	s2 =	srdreg.scid;
	s0 =	stileid.u32  }
0x4: {  	s3 =	rddreg [dreg:$0x3];
	s4 =	simm.s32 $0x0;
	s28 =	simm.s32 $0x1  }
0x5: {  	s29 =	simm.s32 $0x190;
	s30 =	simm.s32 $0x400;
	s31 =	simm.s32 $0x2  }
0x6: {  	s5 =	sand.u32 $0x1, s2;
	s13 =	sshll.u32 s0, $0x1;
	s20 =	smul.u32 $0x38000, s0  }
0x7: {  	[smem:$0x7FF] =	sst s4;
	s2 =	sadd.s32 $0x400, s1;
	s22 =	smul.u32 $0x1C0000, s0  }
0x8: {  	p0 =	sne.s32 s0, $0x0;
	s6 =	sor.u32 s5, s13;
	s23 =	smul.u32 $0xE0000, s5  }
0x9: {  	_ =	strace $0x80000047;
	s7 =	smul.u32 $0x320, s6;
	s15 =	sshll.u32 s6, $0x7  }
0xa: {  	s8 =	ssub.s32 $0x2, s5;
	s10 =	smul.u32 $0x1C000, s6;
	s24 =	sor.u32 $0x20, s15  }
0xb: {  	s14 =	sshrl.u32 s8, $0x1;
	s7 =	sadd.s32 s12, s7;
	[dreg:$0x5] =	wrdreg s24  }
0xc: {  	s1 =	ssub.s32 s8, s14;
	s11 =	sadd.s32 s2, s10;
	[dreg:$0x12] =	wrdreg s7  }
0xd: {  	s25 =	smul.u32 $0x1C000, s5;
	s1 =	smax.u32 s1, $0x1;
	[dreg:$0x13] =	wrdreg s11  }
0xe: {  	s5 =	sshll.u32 s5, $0x7;
	s17 =	sadd.s32 $0x380, s11;
	[smem:$0x7FC] =	sst s1  }
0xf: {  	s9 =	smul.u32 $0x1900, s6;
	s18 =	sadd.s32 $0x700, s11;
	[dreg:$0x15] =	wrdreg s17  }
0x10: {  	s6 =	smul.u32 $0xE0000, s6;
	s19 =	sadd.s32 $0xA80, s11;
	[dreg:$0x16] =	wrdreg s18  }
0x11: {  	s26 =	sadd.s32 s20, s2;
	s10 =	sadd.s32 $0xE00, s11;
	[dreg:$0x17] =	wrdreg s19  }
0x12: {  	s9 =	sshrl.u32 s9, $0x3;
	s21 =	sadd.s32 $0x1180, s11;
	[dreg:$0x18] =	wrdreg s10  }
0x13: {  	s6 =	sshrl.u32 s6, $0x3;
	s13 =	sadd.s32 $0x1500, s11;
	[dreg:$0x19] =	wrdreg s21  }
0x14: {  	s16 =	sadd.s32 s12, s9;
	s11 =	sadd.s32 $0x1880, s11;
	[dreg:$0x1a] =	wrdreg s13  }
0x15: {  	s6 =	sadd.s32 s2, s6;
	s9 =	sadd.s32 $0x32, s16;
	[dreg:$0x1b] =	wrdreg s11  }
0x16: {  	s7 =	sadd.s32 $0x64, s16;
	s24 =	sadd.s32 $0x1A400, s6;
	[dreg:$0x14] =	wrdreg s9  }
0x17: {  	[dreg:$0x1c] =	wrdreg s7;
	s9 =	sadd.s32 s23, s22;
	s7 =	sadd.s32 s25, s26  }
0x18: {  	[dreg:$0x1d] =	wrdreg s24;
	s26 =	sshll.u32 s0, $0x8;
	s24 =	sadd.s32 $0x1B900, s6  }
0x19: {  	s10 =	sor.u32 $0x1A400, s9;
	[dreg:$0x6] =	wrdreg s7;
	s13 =	sor.u32 $0x18800, s9  }
0x1a: {  	s17 =	sor.u32 $0x15000, s9;
	s19 =	sor.u32 $0x13400, s9;
	s20 =	sor.u32 $0x11800, s9  }
0x1b: {  	s25 =	sadd.s32 $0x28400, s9;
	s5 =	sor.u32 s5, s26;
	[smem:$0x7FA] =	sst s24  }
0x1c: {  	s11 =	sshrl.u32 s10, $0x3;
	s8 =	sshrl.u32 s13, $0x3;
	s10 =	sor.u32 $0x16C00, s9  }
0x1d: {  	s18 =	sshrl.u32 s17, $0x3;
	s22 =	sshrl.u32 s20, $0x3;
	s13 =	sadd.s32 $0x24C00, s9  }
0x1e: {  	s5 =	smul.u32 $0x19, s5;
	s20 =	sadd.s32 $0x1AE80, s6;
	s7 =	sadd.s32 s11, s2  }
0x1f: {  	s14 =	sadd.s32 s8, s2;
	s15 =	sshrl.u32 s10, $0x3;
	s8 =	sshrl.u32 s19, $0x3  }
0x20: {  	s23 =	sadd.s32 s22, s2;
	s10 =	sadd.s32 $0x26800, s9;
	[smem:$0x7F7] =	sst s20  }
0x21: {  	s19 =	sadd.s32 $0x1AB00, s6;
	s22 =	sadd.s32 $0x1B580, s6;
	[dreg:$0x7] =	wrdreg s7  }
0x22: {  	s20 =	simm.s32 $0x16200;
	[dreg:$0x8] =	wrdreg s14;
	s16 =	sadd.s32 s15, s2  }
0x23: {  	s7 =	sadd.s32 s18, s2;
	s21 =	sadd.s32 s8, s2;
	[dreg:$0xc] =	wrdreg s23  }
0x24: {  	s11 =	sshrl.u32 s10, $0x3;
	s14 =	sadd.s32 $0x1A780, s6;
	[dreg:$0x1f] =	wrdreg s19  }
0x25: {  	s8 =	sshrl.u32 s13, $0x3;
	s18 =	sadd.s32 $0x21400, s9;
	[smem:$0x7F9] =	sst s22  }
0x26: {  	s23 =	sadd.s32 $0x258, s5;
	s10 =	simm.s32 $0x1D00;
	[dreg:$0x9] =	wrdreg s16  }
0x27: {  	s13 =	simm.s32 $0x5;
	s22 =	simm.s32 $0x6;
	[dreg:$0xa] =	wrdreg s7  }
0x28: {  	s5 =	simm.s32 $0x0;
	s19 =	simm.s32 $0xB300;
	[dreg:$0xb] =	wrdreg s21  }
0x29: {  	s7 =	sshrl.u32 s25, $0x3;
	[dreg:$0x1e] =	wrdreg s14;
	s15 =	sadd.s32 s8, s2  }
0x2a: {  	s16 =	sadd.s32 $0x23000, s9;
	s8 =	sshrl.u32 s18, $0x3;
	s21 =	sadd.s32 $0x1B200, s6  }
0x2b: {  	s25 =	sadd.s32 $0x1BC80, s6;
	s26 =	sshrl.u32 s23, $0x2;
	s9 =	simm.s32 $0x4F00  }
0x2c: {  	s14 =	simm.s32 $0x4;
	s18 =	simm.s32 $0x9A00;
	[dreg:$0xf] =	wrdreg s15  }
0x2d: {  	s7 =	sadd.s32 s7, s2;
	s17 =	sshrl.u32 s16, $0x3;
	[smem:$0x7F8] =	sst s21  }
0x2e: {  	[smem:$0x7FB] =	sst s25;
	s0 =	sadd.s32 s26, s12;
	s26 =	simm.s32 $0x200  }
0x2f: {  	s15 =	simm.s32 $0x9A00;
	s16 =	simm.s32 $0xB300;
	[dreg:$0xd] =	wrdreg s7  }
0x30: {  	s21 =	simm.s32 $0x17B00;
	s7 =	sadd.s32 s11, s2;
	[smem:$0x7FD] =	sst s0  }
0x31: {  	s0 =	simm.s32 $0x3;
	s11 =	simm.s32 $0x6800;
	[dreg:$0xe] =	wrdreg s7  }
0x32: {  	s7 =	sadd.s32 s17, s2;
	s2 =	sadd.s32 s8, s2;
	s8 =	simm.s32 $0x3600  }
0x33: {  	s17 =	simm.s32 $0x8100;
	[dreg:$0x10] =	wrdreg s7;
	s7 =	smov.u32 s12  }
0x34: {  	[dreg:$0x11] =	wrdreg s2;
	s2 =	simm.s32 $0xCC00;
	s12 =	simm.s32 $0x8100  }
.LBB2_1:
0x35: {  	[smem:$0x7F6] =	sst s5  }
0x36: {  	s1 =	sshrl.u32 @!p0 s3, $0x3;
	s6 =	simm.s32 @!p0 $0x1C07;
	s5 =	rddreg [dreg:$0x0]  }
0x37: {  	[spmem:s1], [sflag:s6] =	dma.local @!p0 [hbm:s5], $0x4020  }
0x38: {  	s1 =	simm.s32 @!p0 $0x7  }
0x39: {  	_ =	swait.ge @!p0 [sflag:s1], $0x4020  }
0x3a: {  	[sflag:s1] =	ssyncset.done @!p0 $0x0  }
0x3b: {  	[sflag:s1] =	ssyncadd.s32 @!p0 $0xFFFFBFE0  }
0x3c: {  	[bflag:$0x0] =	sbarrier.arrive $0xFFFF  }
0x3d: {  	s23 =	rddreg [dreg:$0x12]  }
0x3e: {  	[tilespmem:s4], [sflag:$0x1] =	stream.linear.gather [hbm4b:s23+s4], $0x190, $0x38;
	[tilespmem:$0x1B410] =	vst v63  }
0x3f: {  	s24 =	rddreg [dreg:$0x14]  }
0x40: {  	[tilespmem:s26], [sflag:$0x2] =	stream.linear.gather [hbm4b:s24+s4], $0x190, $0x38;
	[tilespmem:$0x1B410] =	vst v63  }
0x41: {  	_ =	swait.ge [sflag:s28], $0x190  }
0x42: {  	[sflag:s28] =	ssyncset.done $0x0  }
0x43: {  	[sflag:s28] =	ssyncadd.s32 $0xFFFFFE70  }
0x44: {  	[tilespmem:s30], [sflag:$0x3] =	stream.indirect.gather [spmem:s3], $0x80, s4, s29, $0xb8;
	[tilespmem:$0x1B410] =	vst v63  }
0x45: {  	_ =	swait.ge [sflag:s31], $0x190  }
0x46: {  	[sflag:s31] =	ssyncset.done $0x0  }
0x47: {  	[sflag:s31] =	ssyncadd.s32 $0xFFFFFE70  }
0x48: {  	[tilespmem:s2], [sflag:$0x4] =	stream.indirect.gather [spmem:s3], $0x80, s26, s29, $0xb8;
	[tilespmem:$0x1B410] =	vst v63  }
0x49: {  	_ =	swait.ge [sflag:s0], $0xC800  }
0x4a: {  	[sflag:s0] =	ssyncset.done $0x0  }
0x4b: {  	s25 =	rddreg [dreg:$0x13];
	[sflag:s0] =	ssyncadd.s32 $0xFFFF3800  }
0x4c: {  	[hbm4b:s25+s4] =	stream.linear.scatter [tilespmem:s30], [sflag:$0x5], $0x1900, $0x38;
	[tilespmem:$0x1B410] =	vst v63  }
0x4d: {  	s5 =	rddreg [dreg:$0x15]  }
0x4e: {  	[hbm4b:s5+s4] =	stream.linear.scatter [tilespmem:s10], [sflag:$0x5], $0x1900, $0x38;
	[tilespmem:$0x1B410] =	vst v63  }
0x4f: {  	s6 =	rddreg [dreg:$0x16]  }
0x50: {  	[hbm4b:s6+s4] =	stream.linear.scatter [tilespmem:s8], [sflag:$0x5], $0x1900, $0x38;
	[tilespmem:$0x1B410] =	vst v63  }
0x51: {  	s23 =	rddreg [dreg:$0x17]  }
0x52: {  	[hbm4b:s23+s4] =	stream.linear.scatter [tilespmem:s9], [sflag:$0x5], $0x1900, $0x38;
	[tilespmem:$0x1B410] =	vst v63  }
0x53: {  	s24 =	rddreg [dreg:$0x18]  }
0x54: {  	[hbm4b:s24+s4] =	stream.linear.scatter [tilespmem:s11], [sflag:$0x5], $0x1900, $0x38;
	[tilespmem:$0x1B410] =	vst v63  }
0x55: {  	s25 =	rddreg [dreg:$0x19]  }
0x56: {  	[hbm4b:s25+s4] =	stream.linear.scatter [tilespmem:s12], [sflag:$0x5], $0x1900, $0x38;
	[tilespmem:$0x1B410] =	vst v63  }
0x57: {  	s5 =	rddreg [dreg:$0x1a]  }
0x58: {  	[hbm4b:s5+s4] =	stream.linear.scatter [tilespmem:s15], [sflag:$0x5], $0x1900, $0x38;
	[tilespmem:$0x1B410] =	vst v63  }
0x59: {  	s6 =	rddreg [dreg:$0x1b]  }
0x5a: {  	[hbm4b:s6+s4] =	stream.linear.scatter [tilespmem:s16], [sflag:$0x5], $0x1900, $0x38;
	[tilespmem:$0x1B410] =	vst v63  }
0x5b: {  	s23 =	rddreg [dreg:$0x1c]  }
0x5c: {  	[tilespmem:s4], [sflag:$0x1] =	stream.linear.gather [hbm4b:s23+s4], $0x190, $0x38;
	[tilespmem:$0x1B410] =	vst v63  }
0x5d: {  	_ =	swait.ge [sflag:s13], $0x1900  }
0x5e: {  	[sflag:s13] =	ssyncset.done $0x0  }
0x5f: {  	[sflag:s13] =	ssyncadd.s32 $0xFFFFE700  }
0x60: {  	_ =	swait.ge [sflag:s13], $0x1900  }
0x61: {  	[sflag:s13] =	ssyncset.done $0x0  }
0x62: {  	[sflag:s13] =	ssyncadd.s32 $0xFFFFE700  }
0x63: {  	_ =	swait.ge [sflag:s13], $0x1900  }
0x64: {  	[sflag:s13] =	ssyncset.done $0x0  }
0x65: {  	[sflag:s13] =	ssyncadd.s32 $0xFFFFE700  }
0x66: {  	_ =	swait.ge [sflag:s13], $0x1900  }
0x67: {  	[sflag:s13] =	ssyncset.done $0x0  }
0x68: {  	[sflag:s13] =	ssyncadd.s32 $0xFFFFE700  }
0x69: {  	_ =	swait.ge [sflag:s13], $0x1900  }
0x6a: {  	[sflag:s13] =	ssyncset.done $0x0  }
0x6b: {  	[sflag:s13] =	ssyncadd.s32 $0xFFFFE700  }
0x6c: {  	_ =	swait.ge [sflag:s13], $0x1900  }
0x6d: {  	[sflag:s13] =	ssyncset.done $0x0  }
0x6e: {  	[sflag:s13] =	ssyncadd.s32 $0xFFFFE700  }
0x6f: {  	_ =	swait.ge [sflag:s13], $0x1900  }
0x70: {  	[sflag:s13] =	ssyncset.done $0x0  }
0x71: {  	[sflag:s13] =	ssyncadd.s32 $0xFFFFE700  }
0x72: {  	_ =	swait.ge [sflag:s13], $0x1900  }
0x73: {  	[sflag:s13] =	ssyncset.done $0x0  }
0x74: {  	[sflag:s13] =	ssyncadd.s32 $0xFFFFE700  }
0x75: {  	_ =	swait.ge [sflag:s28], $0x190  }
0x76: {  	[sflag:s28] =	ssyncset.done $0x0  }
0x77: {  	[sflag:s28] =	ssyncadd.s32 $0xFFFFFE70  }
0x78: {  	[tilespmem:s30], [sflag:$0x3] =	stream.indirect.gather [spmem:s3], $0x80, s4, s29, $0xb8;
	[tilespmem:$0x1B410] =	vst v63  }
0x79: {  	_ =	swait.ge [sflag:s14], $0xC800  }
0x7a: {  	s24 =	rddreg [dreg:$0x6]  }
0x7b: {  	[sflag:s14] =	ssyncset.done $0x0;
	s1 =	sadd.s32 $0x0, s24  }
0x7c: {  	[sflag:s14] =	ssyncadd.s32 $0xFFFF3800;
	s25 =	sadd.s32 $0x1C00, s1  }
0x7d: {  	[hbm4b:s25+s4] =	stream.linear.scatter [tilespmem:s2], [sflag:$0x6], $0x1900, $0x38;
	[tilespmem:$0x1B410] =	vst v63  }
0x7e: {  	s23 =	rddreg [dreg:$0xc];
	s5 =	sadd.s32 $0x1F80, s1;
	s25 =	simm.s32 $0xE500  }
0x7f: {  	[hbm4b:s5+s4] =	stream.linear.scatter [tilespmem:s25], [sflag:$0x6], $0x1900, $0x38;
	[tilespmem:$0x1B410] =	vst v63  }
0x80: {  	s24 =	rddreg [dreg:$0xb];
	s5 =	sadd.s32 $0x0, s23;
	s25 =	simm.s32 $0xFE00  }
0x81: {  	[hbm4b:s5+s4] =	stream.linear.scatter [tilespmem:s25], [sflag:$0x6], $0x1900, $0x38;
	[tilespmem:$0x1B410] =	vst v63  }
0x82: {  	s23 =	rddreg [dreg:$0xa];
	s5 =	sadd.s32 $0x0, s24;
	s25 =	simm.s32 $0x11700  }
0x83: {  	[hbm4b:s5+s4] =	stream.linear.scatter [tilespmem:s25], [sflag:$0x6], $0x1900, $0x38;
	[tilespmem:$0x1B410] =	vst v63  }
0x84: {  	s24 =	rddreg [dreg:$0x9];
	s5 =	sadd.s32 $0x0, s23;
	s25 =	simm.s32 $0x13000  }
0x85: {  	[hbm4b:s5+s4] =	stream.linear.scatter [tilespmem:s25], [sflag:$0x6], $0x1900, $0x38;
	[tilespmem:$0x1B410] =	vst v63  }
0x86: {  	s23 =	rddreg [dreg:$0x8];
	s5 =	sadd.s32 $0x0, s24;
	s25 =	simm.s32 $0x14900  }
0x87: {  	[hbm4b:s5+s4] =	stream.linear.scatter [tilespmem:s25], [sflag:$0x6], $0x1900, $0x38;
	[tilespmem:$0x1B410] =	vst v63  }
0x88: {  	s24 =	rddreg [dreg:$0x7];
	s5 =	sadd.s32 $0x0, s23  }
0x89: {  	[hbm4b:s5+s4] =	stream.linear.scatter [tilespmem:s20], [sflag:$0x6], $0x1900, $0x38;
	[tilespmem:$0x1B410] =	vst v63  }
0x8a: {  	s23 =	sadd.s32 $0x0, s24;
	s25 =	sld [smem:$0x7FD]  }
0x8b: {  	[hbm4b:s23+s4] =	stream.linear.scatter [tilespmem:s21], [sflag:$0x6], $0x1900, $0x38;
	[tilespmem:$0x1B410] =	vst v63  }
0x8c: {  	_ = 	snop  }
0x8d: {  	[tilespmem:s26], [sflag:$0x2] =	stream.linear.gather [hbm4b:s25+s4], $0x190, $0x38;
	[tilespmem:$0x1B410] =	vst v63  }
0x8e: {  	_ =	swait.ge [sflag:s22], $0x1900  }
0x8f: {  	[sflag:s22] =	ssyncset.done $0x0  }
0x90: {  	[sflag:s22] =	ssyncadd.s32 $0xFFFFE700  }
0x91: {  	_ =	swait.ge [sflag:s22], $0x1900  }
0x92: {  	[sflag:s22] =	ssyncset.done $0x0  }
0x93: {  	[sflag:s22] =	ssyncadd.s32 $0xFFFFE700  }
0x94: {  	_ =	swait.ge [sflag:s22], $0x1900  }
0x95: {  	[sflag:s22] =	ssyncset.done $0x0  }
0x96: {  	[sflag:s22] =	ssyncadd.s32 $0xFFFFE700  }
0x97: {  	_ =	swait.ge [sflag:s22], $0x1900  }
0x98: {  	[sflag:s22] =	ssyncset.done $0x0  }
0x99: {  	[sflag:s22] =	ssyncadd.s32 $0xFFFFE700  }
0x9a: {  	_ =	swait.ge [sflag:s22], $0x1900  }
0x9b: {  	[sflag:s22] =	ssyncset.done $0x0  }
0x9c: {  	[sflag:s22] =	ssyncadd.s32 $0xFFFFE700  }
0x9d: {  	_ =	swait.ge [sflag:s22], $0x1900  }
0x9e: {  	[sflag:s22] =	ssyncset.done $0x0  }
0x9f: {  	[sflag:s22] =	ssyncadd.s32 $0xFFFFE700  }
0xa0: {  	_ =	swait.ge [sflag:s22], $0x1900  }
0xa1: {  	[sflag:s22] =	ssyncset.done $0x0  }
0xa2: {  	[sflag:s22] =	ssyncadd.s32 $0xFFFFE700  }
0xa3: {  	_ =	swait.ge [sflag:s22], $0x1900  }
0xa4: {  	[sflag:s22] =	ssyncset.done $0x0  }
0xa5: {  	[sflag:s22] =	ssyncadd.s32 $0xFFFFE700  }
0xa6: {  	_ =	swait.ge [sflag:s31], $0x190  }
0xa7: {  	[sflag:s31] =	ssyncset.done $0x0  }
0xa8: {  	[sflag:s31] =	ssyncadd.s32 $0xFFFFFE70  }
0xa9: {  	[tilespmem:s2], [sflag:$0x4] =	stream.indirect.gather [spmem:s3], $0x80, s26, s29, $0xb8;
	[tilespmem:$0x1B410] =	vst v63  }
0xaa: {  	_ =	swait.ge [sflag:s0], $0xC800  }
0xab: {  	[sflag:s0] =	ssyncset.done $0x0  }
0xac: {  	s24 =	sadd.s32 $0x3800, s1;
	[sflag:s0] =	ssyncadd.s32 $0xFFFF3800  }
0xad: {  	[hbm4b:s24+s4] =	stream.linear.scatter [tilespmem:s30], [sflag:$0x5], $0x1900, $0x38;
	[tilespmem:$0x1B410] =	vst v63  }
0xae: {  	s5 =	sadd.s32 $0x3B80, s1  }
0xaf: {  	[hbm4b:s5+s4] =	stream.linear.scatter [tilespmem:s10], [sflag:$0x5], $0x1900, $0x38;
	[tilespmem:$0x1B410] =	vst v63  }
0xb0: {  	s1 =	sadd.s32 $0x3F00, s1;
	s6 =	rddreg [dreg:$0x11]  }
0xb1: {  	[hbm4b:s1+s4] =	stream.linear.scatter [tilespmem:s8], [sflag:$0x5], $0x1900, $0x38;
	[tilespmem:$0x1B410] =	vst v63  }
0xb2: {  	s6 =	sadd.s32 $0x0, s6;
	s24 =	rddreg [dreg:$0x10]  }
0xb3: {  	[hbm4b:s6+s4] =	stream.linear.scatter [tilespmem:s9], [sflag:$0x5], $0x1900, $0x38;
	[tilespmem:$0x1B410] =	vst v63  }
0xb4: {  	s23 =	sadd.s32 $0x0, s24;
	s5 =	rddreg [dreg:$0xf]  }
0xb5: {  	[hbm4b:s23+s4] =	stream.linear.scatter [tilespmem:s11], [sflag:$0x5], $0x1900, $0x38;
	[tilespmem:$0x1B410] =	vst v63  }
0xb6: {  	s8 =	rddreg [dreg:$0xe];
	s11 =	smin.u32 s4, $0xB  }
0xb7: {  	s1 =	sadd.s32 $0x0, s5;
	s9 =	rddreg [dreg:$0x5];
	s24 =	sshll.u32 s11, $0x3  }
0xb8: {  	[hbm4b:s1+s4] =	stream.linear.scatter [tilespmem:s12], [sflag:$0x5], $0x1900, $0x38;
	[tilespmem:$0x1B410] =	vst v63  }
0xb9: {  	s6 =	sadd.s32 $0x0, s8;
	s23 =	sadd.s32 s24, s9  }
0xba: {  	s12 =	rddreg [dreg:$0xd];
	s24 =	simm.s32 $0x3800;
	s23 =	smul.u32 $0x32, s23  }
0xbb: {  	[hbm4b:s6+s4] =	stream.linear.scatter [tilespmem:s15], [sflag:$0x5], $0x1900, $0x38;
	[tilespmem:$0x1B410] =	vst v63  }
0xbc: {  	s1 =	sadd.s32 $0x0, s12;
	s12 =	simm.s32 $0x3600;
	s6 =	simm.s32 $0x0  }
0xbd: {  	[hbm4b:s1+s4] =	stream.linear.scatter [tilespmem:s16], [sflag:$0x5], $0x1900, $0x38;
	[tilespmem:$0x1B410] =	vst v63  }
0xbe: {  	s15 =	simm.s32 $0x4F00;
	s1 =	sshrl.u32 s23, $0x3;
	s16 =	simm.s32 $0x6800  }
.LBB2_2:
0xbf: {  	s1 =	sadd.s32 s7, s1  }
0xc0: {  	[tilespmem:s4], [sflag:$0x1] =	stream.linear.gather [hbm4b:s1+s4], $0x190, $0x38;
	[tilespmem:$0x1B410] =	vst v63  }
0xc1: {  	_ =	swait.ge [sflag:s13], $0x1900  }
0xc2: {  	[sflag:s13] =	ssyncset.done $0x0  }
0xc3: {  	[sflag:s13] =	ssyncadd.s32 $0xFFFFE700  }
0xc4: {  	_ =	swait.ge [sflag:s13], $0x1900  }
0xc5: {  	[sflag:s13] =	ssyncset.done $0x0  }
0xc6: {  	[sflag:s13] =	ssyncadd.s32 $0xFFFFE700  }
0xc7: {  	_ =	swait.ge [sflag:s13], $0x1900  }
0xc8: {  	[sflag:s13] =	ssyncset.done $0x0  }
0xc9: {  	[sflag:s13] =	ssyncadd.s32 $0xFFFFE700  }
0xca: {  	_ =	swait.ge [sflag:s13], $0x1900  }
0xcb: {  	[sflag:s13] =	ssyncset.done $0x0  }
0xcc: {  	[sflag:s13] =	ssyncadd.s32 $0xFFFFE700  }
0xcd: {  	_ =	swait.ge [sflag:s13], $0x1900  }
0xce: {  	[sflag:s13] =	ssyncset.done $0x0  }
0xcf: {  	[sflag:s13] =	ssyncadd.s32 $0xFFFFE700  }
0xd0: {  	_ =	swait.ge [sflag:s13], $0x1900  }
0xd1: {  	[sflag:s13] =	ssyncset.done $0x0  }
0xd2: {  	[sflag:s13] =	ssyncadd.s32 $0xFFFFE700  }
0xd3: {  	_ =	swait.ge [sflag:s13], $0x1900  }
0xd4: {  	[sflag:s13] =	ssyncset.done $0x0  }
0xd5: {  	[sflag:s13] =	ssyncadd.s32 $0xFFFFE700  }
0xd6: {  	_ =	swait.ge [sflag:s13], $0x1900  }
0xd7: {  	[sflag:s13] =	ssyncset.done $0x0  }
0xd8: {  	[sflag:s13] =	ssyncadd.s32 $0xFFFFE700  }
0xd9: {  	_ =	swait.ge [sflag:s28], $0x190  }
0xda: {  	[sflag:s28] =	ssyncset.done $0x0  }
0xdb: {  	[sflag:s28] =	ssyncadd.s32 $0xFFFFFE70  }
0xdc: {  	[tilespmem:s30], [sflag:$0x3] =	stream.indirect.gather [spmem:s3], $0x80, s4, s29, $0xb8;
	[tilespmem:$0x1B410] =	vst v63  }
0xdd: {  	_ =	swait.ge [sflag:s14], $0xC800  }
0xde: {  	s23 =	smov.u32 s24;
	s5 =	rddreg [dreg:$0x6]  }
0xdf: {  	[sflag:s14] =	ssyncset.done $0x0;
	s1 =	sadd.s32 s23, s5  }
0xe0: {  	s11 =	smov.u32 s7;
	[sflag:s14] =	ssyncadd.s32 $0xFFFF3800;
	s5 =	sadd.s32 $0x1C00, s1  }
0xe1: {  	[hbm4b:s5+s4] =	stream.linear.scatter [tilespmem:s2], [sflag:$0x6], $0x1900, $0x38;
	[tilespmem:$0x1B410] =	vst v63  }
0xe2: {  	s9 =	simm.s32 $0xE500;
	s7 =	rddreg [dreg:$0xc];
	s5 =	sadd.s32 $0x1F80, s1  }
0xe3: {  	[hbm4b:s5+s4] =	stream.linear.scatter [tilespmem:s9], [sflag:$0x6], $0x1900, $0x38;
	[tilespmem:$0x1B410] =	vst v63  }
0xe4: {  	s8 =	rddreg [dreg:$0xb];
	s5 =	sadd.s32 s23, s7;
	s9 =	simm.s32 $0xFE00  }
0xe5: {  	[hbm4b:s5+s4] =	stream.linear.scatter [tilespmem:s9], [sflag:$0x6], $0x1900, $0x38;
	[tilespmem:$0x1B410] =	vst v63  }
0xe6: {  	s7 =	rddreg [dreg:$0xa];
	s5 =	sadd.s32 s23, s8;
	s9 =	simm.s32 $0x11700  }
0xe7: {  	[hbm4b:s5+s4] =	stream.linear.scatter [tilespmem:s9], [sflag:$0x6], $0x1900, $0x38;
	[tilespmem:$0x1B410] =	vst v63  }
0xe8: {  	s8 =	rddreg [dreg:$0x9];
	s5 =	sadd.s32 s23, s7;
	s9 =	simm.s32 $0x13000  }
0xe9: {  	[hbm4b:s5+s4] =	stream.linear.scatter [tilespmem:s9], [sflag:$0x6], $0x1900, $0x38;
	[tilespmem:$0x1B410] =	vst v63  }
0xea: {  	s7 =	rddreg [dreg:$0x8];
	s5 =	sadd.s32 s23, s8;
	s9 =	simm.s32 $0x14900  }
0xeb: {  	[hbm4b:s5+s4] =	stream.linear.scatter [tilespmem:s9], [sflag:$0x6], $0x1900, $0x38;
	[tilespmem:$0x1B410] =	vst v63  }
0xec: {  	s7 =	sadd.s32 s23, s7;
	s8 =	rddreg [dreg:$0x7]  }
0xed: {  	[hbm4b:s7+s4] =	stream.linear.scatter [tilespmem:s20], [sflag:$0x6], $0x1900, $0x38;
	[tilespmem:$0x1B410] =	vst v63  }
0xee: {  	s8 =	sadd.s32 s23, s8  }
0xef: {  	[hbm4b:s8+s4] =	stream.linear.scatter [tilespmem:s21], [sflag:$0x6], $0x1900, $0x38;
	[tilespmem:$0x1B410] =	vst v63  }
0xf0: {  	s25 =	sadd.s32 $0x64, s25  }
0xf1: {  	[tilespmem:s26], [sflag:$0x2] =	stream.linear.gather [hbm4b:s25+s4], $0x190, $0x38;
	[tilespmem:$0x1B410] =	vst v63  }
0xf2: {  	_ =	swait.ge [sflag:s22], $0x1900  }
0xf3: {  	[sflag:s22] =	ssyncset.done $0x0  }
0xf4: {  	[sflag:s22] =	ssyncadd.s32 $0xFFFFE700  }
0xf5: {  	_ =	swait.ge [sflag:s22], $0x1900  }
0xf6: {  	[sflag:s22] =	ssyncset.done $0x0  }
0xf7: {  	[sflag:s22] =	ssyncadd.s32 $0xFFFFE700  }
0xf8: {  	_ =	swait.ge [sflag:s22], $0x1900  }
0xf9: {  	[sflag:s22] =	ssyncset.done $0x0  }
0xfa: {  	[sflag:s22] =	ssyncadd.s32 $0xFFFFE700  }
0xfb: {  	_ =	swait.ge [sflag:s22], $0x1900  }
0xfc: {  	[sflag:s22] =	ssyncset.done $0x0  }
0xfd: {  	[sflag:s22] =	ssyncadd.s32 $0xFFFFE700  }
0xfe: {  	_ =	swait.ge [sflag:s22], $0x1900  }
0xff: {  	[sflag:s22] =	ssyncset.done $0x0  }
0x100: {  	[sflag:s22] =	ssyncadd.s32 $0xFFFFE700  }
0x101: {  	_ =	swait.ge [sflag:s22], $0x1900  }
0x102: {  	[sflag:s22] =	ssyncset.done $0x0  }
0x103: {  	[sflag:s22] =	ssyncadd.s32 $0xFFFFE700  }
0x104: {  	_ =	swait.ge [sflag:s22], $0x1900  }
0x105: {  	[sflag:s22] =	ssyncset.done $0x0  }
0x106: {  	[sflag:s22] =	ssyncadd.s32 $0xFFFFE700  }
0x107: {  	_ =	swait.ge [sflag:s22], $0x1900  }
0x108: {  	[sflag:s22] =	ssyncset.done $0x0  }
0x109: {  	[sflag:s22] =	ssyncadd.s32 $0xFFFFE700  }
0x10a: {  	_ =	swait.ge [sflag:s31], $0x190  }
0x10b: {  	[sflag:s31] =	ssyncset.done $0x0  }
0x10c: {  	[sflag:s31] =	ssyncadd.s32 $0xFFFFFE70  }
0x10d: {  	[tilespmem:s2], [sflag:$0x4] =	stream.indirect.gather [spmem:s3], $0x80, s26, s29, $0xb8;
	[tilespmem:$0x1B410] =	vst v63  }
0x10e: {  	_ =	swait.ge [sflag:s0], $0xC800  }
0x10f: {  	[sflag:s0] =	ssyncset.done $0x0  }
0x110: {  	s9 =	sadd.s32 $0x3800, s1;
	[sflag:s0] =	ssyncadd.s32 $0xFFFF3800  }
0x111: {  	[hbm4b:s9+s4] =	stream.linear.scatter [tilespmem:s30], [sflag:$0x5], $0x1900, $0x38;
	[tilespmem:$0x1B410] =	vst v63  }
0x112: {  	s6 =	sadd.s32 $0x2, s6;
	s7 =	sadd.s32 $0x3B80, s1;
	s5 =	rddreg [dreg:$0x11]  }
0x113: {  	[hbm4b:s7+s4] =	stream.linear.scatter [tilespmem:s10], [sflag:$0x5], $0x1900, $0x38;
	[tilespmem:$0x1B410] =	vst v63  }
0x114: {  	p1 =	sne.s32 s24, $0x15000;
	s1 =	sadd.s32 $0x3F00, s1;
	s8 =	rddreg [dreg:$0x10]  }
0x115: {  	[hbm4b:s1+s4] =	stream.linear.scatter [tilespmem:s12], [sflag:$0x5], $0x1900, $0x38;
	[tilespmem:$0x1B410] =	vst v63  }
0x116: {  	s24 =	sadd.s32 $0x3800, s24;
	s9 =	rddreg [dreg:$0xf];
	s10 =	sadd.s32 s23, s5  }
0x117: {  	[hbm4b:s10+s4] =	stream.linear.scatter [tilespmem:s15], [sflag:$0x5], $0x1900, $0x38;
	[tilespmem:$0x1B410] =	vst v63  }
0x118: {  	s7 =	rddreg [dreg:$0xe];
	s1 =	sadd.s32 s23, s8;
	s10 =	smin.u32 s6, $0xB  }
0x119: {  	[hbm4b:s1+s4] =	stream.linear.scatter [tilespmem:s16], [sflag:$0x5], $0x1900, $0x38;
	[tilespmem:$0x1B410] =	vst v63  }
0x11a: {  	s9 =	sadd.s32 s23, s9;
	s5 =	rddreg [dreg:$0x5];
	s10 =	sshll.u32 s10, $0x3  }
0x11b: {  	[hbm4b:s9+s4] =	stream.linear.scatter [tilespmem:s17], [sflag:$0x5], $0x1900, $0x38;
	[tilespmem:$0x1B410] =	vst v63  }
.Ltmp0:
0x11c: {  	s8 =	rddreg [dreg:$0xd];
	s5 =	sadd.s32 s10, s5;
	(pc) =	sbr.rel @p1 .LBB2_2-.Ltmp0, $4  }
0x11d: {  	s10 =	simm.s32 $0x1D00;
	s1 =	smul.u32 $0x32, s5;
	s9 =	sadd.s32 s23, s7  }
0x11e: {  	[hbm4b:s9+s4] =	stream.linear.scatter [tilespmem:s18], [sflag:$0x5], $0x1900, $0x38;
	[tilespmem:$0x1B410] =	vst v63  }
0x11f: {  	s7 =	smov.u32 s11;
	s23 =	sadd.s32 s23, s8;
	s1 =	sshrl.u32 s1, $0x3  }
0x120: {  	[hbm4b:s23+s4] =	stream.linear.scatter [tilespmem:s19], [sflag:$0x5], $0x1900, $0x38;
	[tilespmem:$0x1B410] =	vst v63  }
0x121: {  	s1 =	sadd.s32 s7, s1  }
0x122: {  	[tilespmem:s4], [sflag:$0x1] =	stream.linear.gather [hbm4b:s1+s4], $0x190, $0x38;
	[tilespmem:$0x1B410] =	vst v63  }
0x123: {  	_ =	swait.ge [sflag:s14], $0xC800  }
0x124: {  	[sflag:s14] =	ssyncset.done $0x0;
	s16 =	rddreg [dreg:$0x1d]  }
0x125: {  	s23 =	rddreg [dreg:$0x1e];
	[sflag:s14] =	ssyncadd.s32 $0xFFFF3800  }
0x126: {  	[hbm4b:s16+s4] =	stream.linear.scatter [tilespmem:s2], [sflag:$0x6], $0x1900, $0x38;
	[tilespmem:$0x1B410] =	vst v63  }
0x127: {  	s5 =	simm.s32 $0xE500;
	s24 =	rddreg [dreg:$0x1f]  }
0x128: {  	[hbm4b:s23+s4] =	stream.linear.scatter [tilespmem:s5], [sflag:$0x6], $0x1900, $0x38;
	[tilespmem:$0x1B410] =	vst v63  }
0x129: {  	s25 =	simm.s32 $0xFE00;
	s6 =	sld [smem:$0x7F7]  }
0x12a: {  	[hbm4b:s24+s4] =	stream.linear.scatter [tilespmem:s25], [sflag:$0x6], $0x1900, $0x38;
	[tilespmem:$0x1B410] =	vst v63  }
0x12b: {  	s8 =	simm.s32 $0x11700;
	s9 =	sld [smem:$0x7F8]  }
0x12c: {  	[hbm4b:s6+s4] =	stream.linear.scatter [tilespmem:s8], [sflag:$0x6], $0x1900, $0x38;
	[tilespmem:$0x1B410] =	vst v63  }
0x12d: {  	s11 =	simm.s32 $0x13000;
	s12 =	sld [smem:$0x7F9]  }
0x12e: {  	[hbm4b:s9+s4] =	stream.linear.scatter [tilespmem:s11], [sflag:$0x6], $0x1900, $0x38;
	[tilespmem:$0x1B410] =	vst v63  }
0x12f: {  	s15 =	simm.s32 $0x14900;
	s16 =	sld [smem:$0x7FA]  }
0x130: {  	[hbm4b:s12+s4] =	stream.linear.scatter [tilespmem:s15], [sflag:$0x6], $0x1900, $0x38;
	[tilespmem:$0x1B410] =	vst v63  }
0x131: {  	s23 =	sld [smem:$0x7FB]  }
0x132: {  	[hbm4b:s16+s4] =	stream.linear.scatter [tilespmem:s20], [sflag:$0x6], $0x1900, $0x38;
	[tilespmem:$0x1B410] =	vst v63  }
0x133: {  	_ = 	snop  }
0x134: {  	[hbm4b:s23+s4] =	stream.linear.scatter [tilespmem:s21], [sflag:$0x6], $0x1900, $0x38;
	[tilespmem:$0x1B410] =	vst v63  }
0x135: {  	_ =	swait.ge [sflag:s13], $0x1900  }
0x136: {  	[sflag:s13] =	ssyncset.done $0x0  }
0x137: {  	[sflag:s13] =	ssyncadd.s32 $0xFFFFE700  }
0x138: {  	_ =	swait.ge [sflag:s13], $0x1900  }
0x139: {  	[sflag:s13] =	ssyncset.done $0x0  }
0x13a: {  	[sflag:s13] =	ssyncadd.s32 $0xFFFFE700  }
0x13b: {  	_ =	swait.ge [sflag:s13], $0x1900  }
0x13c: {  	[sflag:s13] =	ssyncset.done $0x0  }
0x13d: {  	[sflag:s13] =	ssyncadd.s32 $0xFFFFE700  }
0x13e: {  	_ =	swait.ge [sflag:s13], $0x1900  }
0x13f: {  	[sflag:s13] =	ssyncset.done $0x0  }
0x140: {  	[sflag:s13] =	ssyncadd.s32 $0xFFFFE700  }
0x141: {  	_ =	swait.ge [sflag:s13], $0x1900  }
0x142: {  	[sflag:s13] =	ssyncset.done $0x0  }
0x143: {  	[sflag:s13] =	ssyncadd.s32 $0xFFFFE700  }
0x144: {  	_ =	swait.ge [sflag:s13], $0x1900  }
0x145: {  	[sflag:s13] =	ssyncset.done $0x0  }
0x146: {  	[sflag:s13] =	ssyncadd.s32 $0xFFFFE700  }
0x147: {  	_ =	swait.ge [sflag:s13], $0x1900  }
0x148: {  	[sflag:s13] =	ssyncset.done $0x0  }
0x149: {  	[sflag:s13] =	ssyncadd.s32 $0xFFFFE700  }
0x14a: {  	_ =	swait.ge [sflag:s13], $0x1900  }
0x14b: {  	[sflag:s13] =	ssyncset.done $0x0  }
0x14c: {  	[sflag:s13] =	ssyncadd.s32 $0xFFFFE700  }
0x14d: {  	_ =	swait.ge [sflag:s22], $0x1900  }
0x14e: {  	[sflag:s22] =	ssyncset.done $0x0  }
0x14f: {  	[sflag:s22] =	ssyncadd.s32 $0xFFFFE700  }
0x150: {  	_ =	swait.ge [sflag:s22], $0x1900  }
0x151: {  	[sflag:s22] =	ssyncset.done $0x0  }
0x152: {  	[sflag:s22] =	ssyncadd.s32 $0xFFFFE700  }
0x153: {  	_ =	swait.ge [sflag:s22], $0x1900  }
0x154: {  	[sflag:s22] =	ssyncset.done $0x0  }
0x155: {  	[sflag:s22] =	ssyncadd.s32 $0xFFFFE700  }
0x156: {  	_ =	swait.ge [sflag:s22], $0x1900  }
0x157: {  	[sflag:s22] =	ssyncset.done $0x0  }
0x158: {  	[sflag:s22] =	ssyncadd.s32 $0xFFFFE700  }
0x159: {  	_ =	swait.ge [sflag:s22], $0x1900  }
0x15a: {  	[sflag:s22] =	ssyncset.done $0x0  }
0x15b: {  	[sflag:s22] =	ssyncadd.s32 $0xFFFFE700  }
0x15c: {  	_ =	swait.ge [sflag:s22], $0x1900  }
0x15d: {  	[sflag:s22] =	ssyncset.done $0x0  }
0x15e: {  	[sflag:s22] =	ssyncadd.s32 $0xFFFFE700  }
0x15f: {  	_ =	swait.ge [sflag:s22], $0x1900  }
0x160: {  	[sflag:s22] =	ssyncset.done $0x0  }
0x161: {  	[sflag:s22] =	ssyncadd.s32 $0xFFFFE700  }
0x162: {  	_ =	swait.ge [sflag:s22], $0x1900  }
0x163: {  	[sflag:s22] =	ssyncset.done $0x0  }
0x164: {  	[sflag:s22] =	ssyncadd.s32 $0xFFFFE700  }
0x165: {  	_ =	swait.ge [sflag:s28], $0x190  }
0x166: {  	s24 =	sld [smem:$0x7F6]  }
0x167: {  	s25 =	sld [smem:$0x7FC];
	_ =	sdelay $0x1  }
0x168: {  	s5 =	sadd.s32 $0x1, s24  }
0x169: {  	p1 =	sne.s32 s5, s25  }
.Ltmp1:
0x16a: {  	_ = 	snop;
	(pc) =	sbr.rel @p1 .LBB2_1-.Ltmp1, $4  }
0x16b: {  	_ = 	snop  }
0x16c: {  	s8 =	simm.s32 $0x3600;
	s9 =	simm.s32 $0x4F00  }
0x16d: {  	s11 =	simm.s32 $0x6800;
	s12 =	simm.s32 $0x8100;
	[sflag:s28] =	ssyncset.done $0x0  }
0x16e: {  	s15 =	simm.s32 $0x9A00;
	s16 =	simm.s32 $0xB300;
	[sflag:s28] =	ssyncadd.s32 $0xFFFFFE70  }
0x16f: {  	_ =	sfence.sel $0x180000  }
0x170: {  	[bflag:$0x0] =	sbarrier.arrive $0xFFFF  }
0x171: {  	_ =	strace $0x90000047  }
0x172: {  	[bflag:$0x2] =	sbarrier.arrive $0xFFFF  }
0x173: {  	s0 =	rddreg [dreg:$0x4]  }
0x174: {  	s0 =	sadd.s32 @!p0 $0x100000, s0  }
0x175: {  	[sflag:s0] =	ssyncadd.tile.s32 @!p0 $0x1;
	_ =	shalt  }
.Lfunc_end2:
_tile_overlayer_lowered:
.L_overlay_start_2:
0x176: {  	(tag) =	ssettag $0x2  }
0x177: {  	s0 =	rddreg [dreg:$0x0];
	s2 =	stileid.u32  }
0x178: {  	s1 =	rddreg [dreg:$0x1];
	p0 =	sne.s32 s2, $0x0  }
0x179: {  	s3 =	rddreg [dreg:$0x2];
	[bflag:$0x3] =	sbarrier.arrive $0xFFFF;
	s2 =	simm.s32 @!p0 $0x1C07  }
0x17a: {  	[timem:s3], [sflag:s2] =	dma.local @!p0 [hbm:s0], s1  }
0x17b: {  	s0 =	simm.s32 @!p0 $0x7  }
0x17c: {  	_ =	swait.ge @!p0 [sflag:s0], s1  }
0x17d: {  	s1 =	ssub.s32 @!p0 $0x0, s1;
	[sflag:s0] =	ssyncset.done @!p0 $0x0  }
0x17e: {  	[sflag:s0] =	ssyncadd.s32 @!p0 s1  }
0x17f: {  	[bflag:$0x3] =	sbarrier.arrive $0xFFFF  }
0x180: {  	_ =	shalt  }

</sc_bundles>
